<compile_context>
chip_gen: v7x
topology: tpu7x:2x2x1
jax: 0.10.2.dev20260603
libtpu: 0.0.44.dev20260713+nightly
codegen_flags: <defaults>
</compile_context>

<pallas_src>
import functools

import jax
import jax.numpy as jnp
import numpy as np
from jax import lax
from jax.experimental import pallas as pl
from jax.experimental.pallas import tpu as pltpu
from jax.experimental.pallas import tpu_sc as plsc

_N = 8192
_N0 = 1638
_N1 = 409
_K = 64
_R0 = 0.2
_R1 = 0.4


def _mlp(ps, x):
    for W, b in ps:
        x = jax.nn.relu(x @ W + b)
    return x


_BIG_I32 = 2**31 - 1


def _fps_body(npoint, n_valid, px_ref, py_ref, pz_ref, ox_ref, oy_ref, oz_ref):
    R, C = px_ref.shape
    OR, OC = ox_ref.shape
    px, py, pz = px_ref[...], py_ref[...], pz_ref[...]
    iota = (lax.broadcasted_iota(jnp.int32, (R, C), 0) * C
            + lax.broadcasted_iota(jnp.int32, (R, C), 1))
    oiota = (lax.broadcasted_iota(jnp.int32, (OR, OC), 0) * OC
             + lax.broadcasted_iota(jnp.int32, (OR, OC), 1))
    valid = iota < n_valid
    x0 = jnp.sum(jnp.where(iota == 0, px, 0.0))
    y0 = jnp.sum(jnp.where(iota == 0, py, 0.0))
    z0 = jnp.sum(jnp.where(iota == 0, pz, 0.0))
    dx, dy, dz = px - x0, py - y0, pz - z0
    d = jnp.where(valid, dx * dx + dy * dy + dz * dz, -1.0)
    ox_ref[...] = jnp.where(oiota == 0, x0, 0.0)
    oy_ref[...] = jnp.where(oiota == 0, y0, 0.0)
    oz_ref[...] = jnp.where(oiota == 0, z0, 0.0)

    def body(i, d):
        m = jnp.max(d)
        nxt = jnp.min(jnp.where(d == m, iota, _BIG_I32))
        sel = iota == nxt
        xn = jnp.sum(jnp.where(sel, px, 0.0))
        yn = jnp.sum(jnp.where(sel, py, 0.0))
        zn = jnp.sum(jnp.where(sel, pz, 0.0))
        dx, dy, dz = px - xn, py - yn, pz - zn
        nd = dx * dx + dy * dy + dz * dz
        om = oiota == i
        ox_ref[...] = jnp.where(om, xn, ox_ref[...])
        oy_ref[...] = jnp.where(om, yn, oy_ref[...])
        oz_ref[...] = jnp.where(om, zn, oz_ref[...])
        return jnp.minimum(d, nd)

    lax.fori_loop(1, npoint, body, d)


def _fps_pallas(pos, n_valid, npoint):
    n_pad = ((n_valid + 127) // 128) * 128
    o_pad = ((npoint + 127) // 128) * 128
    p = jnp.pad(pos, ((0, n_pad - n_valid), (0, 0)))
    px = p[:, 0].reshape(n_pad // 128, 128)
    py = p[:, 1].reshape(n_pad // 128, 128)
    pz = p[:, 2].reshape(n_pad // 128, 128)
    oshape = (o_pad // 128, 128)
    ox, oy, oz = pl.pallas_call(
        functools.partial(_fps_body, npoint, n_valid),
        out_shape=[jax.ShapeDtypeStruct(oshape, jnp.float32)] * 3,
    )(px, py, pz)
    out = jnp.stack([ox.reshape(-1), oy.reshape(-1), oz.reshape(-1)], axis=1)
    return out[:npoint]


_INF_BITS = 0x7F800000


def _rsearch_body(s_valid, r2, q_ref, sx_ref, sy_ref, sz_ref,
                  md2_ref, thr_ref, cnt_ref):
    Qb = q_ref.shape[0]
    Sp = sx_ref.shape[1]
    qx, qy, qz = q_ref[:, 0:1], q_ref[:, 1:2], q_ref[:, 2:3]
    dx = qx - sx_ref[...]
    dy = qy - sy_ref[...]
    dz = qz - sz_ref[...]
    d2 = dx * dx + dy * dy + dz * dz
    jiota = lax.broadcasted_iota(jnp.int32, (Qb, Sp), 1)
    md2 = jnp.where((jiota < s_valid) & (d2 <= r2), d2, jnp.inf)
    md2_ref[...] = md2
    bits = lax.bitcast_convert_type(md2, jnp.int32)
    c_r = jnp.sum((bits < _INF_BITS).astype(jnp.int32), axis=1, keepdims=True)
    cnt_ref[...] = jnp.minimum(c_r, 64)
    lo = jnp.zeros((Qb, 1), jnp.int32)
    hi = jnp.full((Qb, 1), _INF_BITS, jnp.int32)

    def body(_, carry):
        lo, hi = carry
        mid = lo + ((hi - lo) >> 1)
        c = jnp.sum((bits <= mid).astype(jnp.int32), axis=1, keepdims=True)
        small = c < 64
        return (jnp.where(small, mid + 1, lo), jnp.where(small, hi, mid))

    lo, hi = lax.fori_loop(0, 31, body, (lo, hi))
    thr_ref[...] = lax.bitcast_convert_type(
        jnp.where(hi == _INF_BITS, _INF_BITS - 1, hi), jnp.float32)


def _radius_search_pallas(pos_src, s_valid, pos_q, q_valid, r, q_blk):
    S = pos_src.shape[0]
    Sp = ((S + 127) // 128) * 128
    Qp = ((q_valid + q_blk - 1) // q_blk) * q_blk
    sp = jnp.pad(pos_src, ((0, Sp - S), (0, 0)))
    sx = sp[:, 0].reshape(1, Sp)
    sy = sp[:, 1].reshape(1, Sp)
    sz = sp[:, 2].reshape(1, Sp)
    qp = jnp.pad(pos_q, ((0, Qp - q_valid), (0, 0)))
    md2, thr, cnt = pl.pallas_call(
        functools.partial(_rsearch_body, s_valid, r * r),
        grid=(Qp // q_blk,),
        in_specs=[
            pl.BlockSpec((q_blk, 3), lambda i: (i, 0)),
            pl.BlockSpec((1, Sp), lambda i: (0, 0)),
            pl.BlockSpec((1, Sp), lambda i: (0, 0)),
            pl.BlockSpec((1, Sp), lambda i: (0, 0)),
        ],
        out_specs=[
            pl.BlockSpec((q_blk, Sp), lambda i: (i, 0)),
            pl.BlockSpec((q_blk, 1), lambda i: (i, 0)),
            pl.BlockSpec((q_blk, 1), lambda i: (i, 0)),
        ],
        out_shape=[
            jax.ShapeDtypeStruct((Qp, Sp), jnp.float32),
            jax.ShapeDtypeStruct((Qp, 1), jnp.float32),
            jax.ShapeDtypeStruct((Qp, 1), jnp.int32),
        ],
    )(qp, sx, sy, sz)
    return md2, thr, cnt


def _sc_compact(md2, thr, n_per_worker):
    Qp, W = md2.shape
    nv = W // 16
    mesh = plsc.VectorSubcoreMesh(core_axis_name="c", subcore_axis_name="s")

    @functools.partial(
        pl.kernel, mesh=mesh,
        compiler_params=pltpu.CompilerParams(needs_layout_passes=False),
        out_type=jax.ShapeDtypeStruct((Qp, 128), jnp.int32),
        scratch_types=[
            pltpu.VMEM((W,), jnp.float32),
            pltpu.VMEM((W + 16,), jnp.int32),
            pltpu.VMEM((n_per_worker * 16,), jnp.float32),
        ],
    )
    def k(md2_hbm, thr_hbm, out_hbm, row_v, buf_v, thr_v):
        wid = lax.axis_index("s") * 2 + lax.axis_index("c")
        base = wid * n_per_worker
        pltpu.sync_copy(thr_hbm.at[pl.ds(base * 16, n_per_worker * 16)], thr_v)
        zeros16 = jnp.zeros((16,), jnp.int32)
        lane = lax.iota(jnp.int32, 16)

        def per_query(qi, _):
            q = base + qi
            pltpu.sync_copy(md2_hbm.at[q], row_v)
            for sb in range(8):
                buf_v[pl.ds(sb * 16, 16)] = zeros16
            thr_s = thr_v[pl.ds(qi * 16, 16)]

            def per_vreg(vi, cursor):
                takes, incs, pcs = [], [], []
                for s in range(4):
                    v = row_v[pl.ds((vi * 4 + s) * 16, 16)]
                    take = v <= thr_s
                    takes.append(take)
                    incs.append(plsc.cumsum(jnp.where(take, 1, 0)))
                    pcs.append(plsc.all_reduce_population_count(take))
                for s in range(4):
                    pos = incs[s] + cursor - 1
                    idxs = lane + (vi * 4 + s) * 16
                    plsc.store_scatter(buf_v, [pos], idxs, mask=takes[s])
                    cursor = cursor + pcs[s]
                return cursor

            lax.fori_loop(0, nv // 4, per_vreg, zeros16)
            pltpu.sync_copy(buf_v.at[pl.ds(0, 128)], out_hbm.at[q])
            return 0

        lax.fori_loop(0, n_per_worker, per_query, 0)

    return k(md2, thr)


def _radius_nbrs_fast(x_src_pad, pos_src, s_valid, pos_q, q_valid, r, q_blk,
                      n_per_worker):
    md2, thr, cnt = _radius_search_pallas(pos_src, s_valid, pos_q, q_valid, r, q_blk)
    thr_b = jnp.broadcast_to(thr, (thr.shape[0], 16)).reshape(-1)
    nbr = _sc_compact(md2, thr_b, n_per_worker)
    nbr = nbr[:q_valid, :64]
    valid = jnp.arange(64, dtype=jnp.int32)[None, :] < cnt[:q_valid]
    return nbr, valid


def _radius_nbrs(pos_src, pos_q, r, k):
    d2 = jnp.sum((pos_q[:, None, :] - pos_src[None, :, :]) ** 2, axis=-1)
    masked = jnp.where(d2 <= r * r, d2, jnp.inf)
    negv, idx = lax.top_k(-masked, k)
    valid = jnp.isfinite(negv)
    return idx, valid


def _point_conv(ps, x_src, pos_src, pos_q, nbr, valid):
    x_j = x_src[nbr]
    rel = pos_src[nbr] - pos_q[:, None, :]
    h = _mlp(ps, jnp.concatenate([x_j, rel], axis=-1))
    h = jnp.where(valid[:, :, None], h, -jnp.inf)
    out = jnp.max(h, axis=1)
    return jnp.where(jnp.isfinite(out), out, 0.0)


def _knn3_body(s_valid, q_ref, sx_ref, sy_ref, sz_ref, xs_ref, out_ref):
    Qb = q_ref.shape[0]
    Sp = sx_ref.shape[1]
    qx, qy, qz = q_ref[:, 0:1], q_ref[:, 1:2], q_ref[:, 2:3]
    dx = qx - sx_ref[...]
    dy = qy - sy_ref[...]
    dz = qz - sz_ref[...]
    d2 = dx * dx + dy * dy + dz * dz
    jiota = lax.broadcasted_iota(jnp.int32, (Qb, Sp), 1)
    d2 = jnp.where(jiota < s_valid, d2, jnp.inf)
    Wm = jnp.zeros((Qb, Sp), jnp.float32)
    wsum = jnp.zeros((Qb, 1), jnp.float32)
    ws, sels = [], []
    for _ in range(3):
        m = jnp.min(d2, axis=1, keepdims=True)
        i = jnp.min(jnp.where(d2 == m, jiota, _BIG_I32), axis=1, keepdims=True)
        sel = jiota == i
        d2 = jnp.where(sel, jnp.inf, d2)
        w = 1.0 / jnp.maximum(m, 1e-16)
        wsum = wsum + w
        ws.append(w)
        sels.append(sel)
    for w, sel in zip(ws, sels):
        Wm = Wm + jnp.where(sel, w / wsum, 0.0)
    out_ref[...] = jnp.dot(Wm, xs_ref[...], preferred_element_type=jnp.float32)


def _knn3_pallas(x_src, pos_src, pos_dst):
    S, F = x_src.shape
    Q = pos_dst.shape[0]
    Sp = ((S + 127) // 128) * 128
    Qb = 512
    Qp = ((Q + Qb - 1) // Qb) * Qb
    xs = jnp.pad(x_src, ((0, Sp - S), (0, 0)))
    sp = jnp.pad(pos_src, ((0, Sp - S), (0, 0)))
    sx = sp[:, 0].reshape(1, Sp)
    sy = sp[:, 1].reshape(1, Sp)
    sz = sp[:, 2].reshape(1, Sp)
    qp = jnp.pad(pos_dst, ((0, Qp - Q), (0, 0)))
    out = pl.pallas_call(
        functools.partial(_knn3_body, S),
        grid=(Qp // Qb,),
        in_specs=[
            pl.BlockSpec((Qb, 3), lambda i: (i, 0)),
            pl.BlockSpec((1, Sp), lambda i: (0, 0)),
            pl.BlockSpec((1, Sp), lambda i: (0, 0)),
            pl.BlockSpec((1, Sp), lambda i: (0, 0)),
            pl.BlockSpec((Sp, F), lambda i: (0, 0)),
        ],
        out_specs=pl.BlockSpec((Qb, F), lambda i: (i, 0)),
        out_shape=jax.ShapeDtypeStruct((Qp, F), jnp.float32),
    )(qp, sx, sy, sz, xs)
    return out[:Q]


def _knn_interp(x_src, pos_src, pos_dst, k):
    d2 = jnp.sum((pos_dst[:, None, :] - pos_src[None, :, :]) ** 2, axis=-1)
    negv, idx = lax.top_k(-d2, k)
    d2k = jnp.maximum(-negv, 1e-16)
    w = 1.0 / d2k
    w = w / jnp.sum(w, axis=1, keepdims=True)
    return jnp.sum(w[:, :, None] * x_src[idx], axis=1)




def _head_body(h_ref, w0, b0, w1, b1, w2, b2, wl0, bl0, wl1, bl1, wo, bo, out_ref):
    h = h_ref[...]
    h = jnp.maximum(jnp.dot(h, w0[...], preferred_element_type=jnp.float32) + b0[...], 0.0)
    h = jnp.maximum(jnp.dot(h, w1[...], preferred_element_type=jnp.float32) + b1[...], 0.0)
    h = jnp.maximum(jnp.dot(h, w2[...], preferred_element_type=jnp.float32) + b2[...], 0.0)
    h = jnp.maximum(jnp.dot(h, wl0[...], preferred_element_type=jnp.float32) + bl0[...], 0.0)
    h = jnp.maximum(jnp.dot(h, wl1[...], preferred_element_type=jnp.float32) + bl1[...], 0.0)
    out_ref[...] = jnp.dot(h, wo[...], preferred_element_type=jnp.float32) + bo[...]


def _head_pallas(h, params):
    n = h.shape[0]
    kin = h.shape[1]
    (w0, b0), (w1, b1), (w2, b2) = params["fp2"]
    (wl0, bl0), (wl1, bl1) = params["lin"]
    (wo, bo) = params["out"][0]
    kp = 136
    h = jnp.pad(h, ((0, 0), (0, kp - kin)))
    w0 = jnp.pad(w0, ((0, kp - kin), (0, 0)))
    wo_p = jnp.pad(wo, ((0, 0), (0, 128 - wo.shape[1])))
    bo_p = jnp.pad(bo, ((0, 128 - bo.shape[0]),))
    blk = 1024
    grid = (n // blk,)
    wspec = lambda shape: pl.BlockSpec(shape, lambda i: (0,) * len(shape))
    out = pl.pallas_call(
        _head_body,
        grid=grid,
        in_specs=[
            pl.BlockSpec((blk, kp), lambda i: (i, 0)),
            wspec((kp, 128)), wspec((128,)),
            wspec((128, 128)), wspec((128,)),
            wspec((128, 128)), wspec((128,)),
            wspec((128, 128)), wspec((128,)),
            wspec((128, 128)), wspec((128,)),
            wspec((128, 128)), wspec((128,)),
        ],
        out_specs=pl.BlockSpec((blk, 128), lambda i: (i, 0)),
        out_shape=jax.ShapeDtypeStruct((n, 128), jnp.float32),
    )(h, w0, b0, w1, b1, w2, b2, wl0, bl0, wl1, bl1, wo_p, bo_p)
    return out[:, :3]


def kernel(x, pos, batch, params):
    pos0 = _fps_pallas(pos, _N, _N0)
    nbr0, v0 = _radius_nbrs_fast(None, pos, _N, pos0, _N0, _R0,
                                 q_blk=256, n_per_worker=56)
    x0 = _point_conv(params["sa0"], x, pos, pos0, nbr0, v0)
    pos1 = _fps_pallas(pos0, _N0, _N1)
    nbr1, v1 = _radius_nbrs_fast(None, pos0, _N0, pos1, _N1, _R1,
                                 q_blk=256, n_per_worker=16)
    x1 = _point_conv(params["sa1"], x0, pos0, pos1, nbr1, v1)
    g = _mlp(params["sa2"], jnp.concatenate([x1, pos1], axis=1))
    xg = jnp.max(g, axis=0, keepdims=True)
    f0 = jnp.broadcast_to(xg, (_N1, xg.shape[1]))
    f0 = _mlp(params["fp0"], jnp.concatenate([f0, x1], axis=1))
    f1 = _knn3_pallas(f0, pos1, pos0)
    f1 = _mlp(params["fp1"], jnp.concatenate([f1, x0], axis=1))
    f2 = _knn3_pallas(f1, pos0, pos)
    h = jnp.concatenate([f2, x], axis=1)
    return _head_pallas(h, params)

# --- scband reference (transcript-rebuilt; emitter-appended) ---
"""Pipeline reference for scband-net-68049461838496 (READ-ONLY COPY).

The authoritative reference and input builder live on the scoring server;
editing this copy changes nothing except your own understanding.
"""

import jax, jax.numpy as jnp
import numpy as np
from jax import lax

N = 8192
N0 = 1638
N1 = 409
K_NBR = 64
R0 = 0.2
R1 = 0.4


def make_mlp(key, channels):
    ps = []
    for i in range(1, len(channels)):
        key, kW = jax.random.split(key)
        W = jax.random.normal(kW, (channels[i - 1], channels[i]), jnp.float32) * (1.0 / float(np.sqrt(channels[i - 1])))
        ps.append((W, jnp.zeros((channels[i],), jnp.float32)))
    return ps


def mlp_apply(ps, x):
    for W, b in ps:
        x = jax.nn.relu(x @ W + b)
    return x


def setup_inputs(seed: int = 0):
    key = jax.random.key(seed)
    kx, kp, kw = jax.random.split(key, 3)
    x = jax.random.normal(kx, (N, 4), jnp.float32)
    pos = jax.random.uniform(kp, (N, 3), jnp.float32)
    batch = jnp.zeros((N,), jnp.int32)
    keys = jax.random.split(kw, 8)
    params = {
        "sa0": make_mlp(keys[0], [7, 64, 64, 128]),
        "sa1": make_mlp(keys[1], [131, 128, 128, 256]),
        "sa2": make_mlp(keys[2], [259, 256, 512, 1024]),
        "fp0": make_mlp(keys[3], [1280, 256, 256]),
        "fp1": make_mlp(keys[4], [384, 256, 128]),
        "fp2": make_mlp(keys[5], [132, 128, 128, 128]),
        "lin": make_mlp(keys[6], [128, 128, 128]),
        "out": make_mlp(keys[7], [128, 3]),
    }
    return {"x": x, "pos": pos, "batch": batch, "params": params}


def fps(pos, npoint):
    d = jnp.sum((pos - pos[0]) ** 2, axis=1)
    sel = jnp.zeros((npoint,), jnp.int32)

    def body(i, carry):
        sel, d = carry
        nxt = jnp.argmax(d).astype(jnp.int32)
        sel = sel.at[i].set(nxt)
        d = jnp.minimum(d, jnp.sum((pos - pos[nxt]) ** 2, axis=1))
        return (sel, d)

    sel, _ = lax.fori_loop(1, npoint, body, (sel, d))
    return sel


def radius_nbrs(pos_src, pos_q, r, k):
    d2 = jnp.sum((pos_q[:, None, :] - pos_src[None, :, :]) ** 2, axis=-1)
    masked = jnp.where(d2 <= r * r, d2, jnp.inf)
    negv, idx = lax.top_k(-masked, k)
    valid = jnp.isfinite(negv)
    return idx, valid


def point_conv(ps, x_src, pos_src, pos_q, nbr, valid):
    x_j = x_src[nbr]
    rel = pos_src[nbr] - pos_q[:, None, :]
    h = mlp_apply(ps, jnp.concatenate([x_j, rel], axis=-1))
    h = jnp.where(valid[:, :, None], h, -jnp.inf)
    out = jnp.max(h, axis=1)
    return jnp.where(jnp.isfinite(out), out, 0.0)


def knn_interp(x_src, pos_src, pos_dst, k):
    d2 = jnp.sum((pos_dst[:, None, :] - pos_src[None, :, :]) ** 2, axis=-1)
    negv, idx = lax.top_k(-d2, k)
    d2k = jnp.maximum(-negv, 1e-16)
    w = 1.0 / d2k
    w = w / jnp.sum(w, axis=1, keepdims=True)
    return jnp.sum(w[:, :, None] * x_src[idx], axis=1)


def reference(x, pos, batch, params):
    # SA level 0
    idx0 = fps(pos, N0)
    pos0 = pos[idx0]
    nbr0, v0 = radius_nbrs(pos, pos0, R0, K_NBR)
    x0 = point_conv(params["sa0"], x, pos, pos0, nbr0, v0)
    # SA level 1
    idx1 = fps(pos0, N1)
    pos1 = pos0[idx1]
    nbr1, v1 = radius_nbrs(pos0, pos1, R1, K_NBR)
    x1 = point_conv(params["sa1"], x0, pos0, pos1, nbr1, v1)
    # Global SA (single cloud -> global max pool)
    g = mlp_apply(params["sa2"], jnp.concatenate([x1, pos1], axis=1))
    xg = jnp.max(g, axis=0, keepdims=True)
    posg = jnp.zeros((1, 3), jnp.float32)
    # FP modules
    f0 = knn_interp(xg, posg, pos1, 1)
    f0 = mlp_apply(params["fp0"], jnp.concatenate([f0, x1], axis=1))
    f1 = knn_interp(f0, pos1, pos0, 3)
    f1 = mlp_apply(params["fp1"], jnp.concatenate([f1, x0], axis=1))
    f2 = knn_interp(f1, pos0, pos, 3)
    h = mlp_apply(params["fp2"], jnp.concatenate([f2, x], axis=1))
    # head
    h = mlp_apply(params["lin"], h)
    W, b = params["out"][0]
    return h @ W + b

if __name__ == "__main__":
    import jax
    _d = setup_inputs()
    print(jax.jit(kernel)(*tuple(_d.values())))

</pallas_src>

<mosaic_0001>
#map = affine_map<(d0, d1) -> (0, 0)>
#map1 = affine_map<(d0, d1) -> (0)>
module attributes {stable_mosaic.version = 14 : i64} {
  func.func @k(%arg0: i32, %arg1: i32, %arg2: memref<512x1664xf32, #tpu.memory_space<hbm>>, %arg3: memref<8192xf32, #tpu.memory_space<hbm>>, %arg4: memref<512x128xi32, #tpu.memory_space<hbm>>, %arg5: memref<1664xf32, #tpu.memory_space<vmem>>, %arg6: memref<1680xi32, #tpu.memory_space<vmem>>, %arg7: memref<256xf32, #tpu.memory_space<vmem>>) attributes {dimension_semantics = [#tpu.dimension_semantics<core_parallel>, #tpu.dimension_semantics<subcore_parallel>], iteration_bounds = array<i64: 2, 16>, scalar_prefetch = 0 : i64, scratch_operands = 3 : i64, tpu.core_type = #tpu.core_type<sc_vector_subcore>, window_params = [{transform_indices = #map}, {transform_indices = #map1}, {transform_indices = #map}]} {
    %mul3A = arith.constant 2 : i32
    %mul3A_0 = arith.muli %arg1, %mul3A : i32
    %add3A = arith.addi %mul3A_0, %arg0 : i32
    %mul3A_1 = arith.constant 16 : i32
    %mul3A_2 = arith.muli %add3A, %mul3A_1 : i32
    %mul3A_3 = arith.constant 16 : i32
    %mul3A_4 = arith.muli %mul3A_2, %mul3A_3 : i32
    "tpu.region"() ({
      %run_scoped3A = tpu.sem_alloc : memref<!tpu.dma_semaphore, #tpu.memory_space<semaphore_mem>>
      %dma_start3A = tpu.memref_slice %arg3[%mul3A_4] : memref<8192xf32, #tpu.memory_space<hbm>> -> memref<256xf32, #tpu.memory_space<hbm>>
      %dma_start3A_12 = tpu.memref_slice %arg3[%mul3A_4] : memref<8192xf32, #tpu.memory_space<hbm>> -> memref<256xf32, #tpu.memory_space<hbm>>
      tpu.enqueue_dma source(%dma_start3A_12 : memref<256xf32, #tpu.memory_space<hbm>>) target(%arg7 : memref<256xf32, #tpu.memory_space<vmem>>) target_semaphore(%run_scoped3A : memref<!tpu.dma_semaphore, #tpu.memory_space<semaphore_mem>>)
      %dma_wait3A = tpu.memref_slice %arg3[%mul3A_4] : memref<8192xf32, #tpu.memory_space<hbm>> -> memref<256xf32, #tpu.memory_space<hbm>>
      %dma_wait3A_13 = tpu.memref_slice %arg3[%mul3A_4] : memref<8192xf32, #tpu.memory_space<hbm>> -> memref<256xf32, #tpu.memory_space<hbm>>
      tpu.wait_dma2 semaphore(%run_scoped3A : memref<!tpu.dma_semaphore, #tpu.memory_space<semaphore_mem>>) src(%dma_wait3A_13 : memref<256xf32, #tpu.memory_space<hbm>>) dst(%arg7 : memref<256xf32, #tpu.memory_space<vmem>>)
      tpu.yield
    }) : () -> ()
    %broadcast_in_dim3A = arith.constant 0 : i32
    %broadcast_in_dim3A_5 = vector.broadcast %broadcast_in_dim3A : i32 to vector<16xi32>
    %iota3A = tpu.iota {dimensions = array<i32: 0>} : vector<16xi32>
    %scan3A = arith.constant 0 : i32
    %scan3A_6 = arith.constant 0 : i32
    %scan3A_7 = arith.constant 16 : i32
    %scan3A_8 = arith.addi %scan3A_6, %scan3A_7 : i32
    %scan3A_9 = arith.constant 1 : i32
    %scan3A_10 = scf.for %scan3A_12 = %scan3A_6 to %scan3A_8 step %scan3A_9 iter_args(%scan3A_13 = %scan3A) -> (i32)  : i32 {
      %add3A_14 = arith.addi %mul3A_2, %scan3A_12 : i32
      "tpu.region"() ({
        %run_scoped3A = tpu.sem_alloc : memref<!tpu.dma_semaphore, #tpu.memory_space<semaphore_mem>>
        %dma_start3A = arith.constant 0 : i32
        %dma_start3A_40 = tpu.memref_slice %arg2[%add3A_14, %dma_start3A] : memref<512x1664xf32, #tpu.memory_space<hbm>> -> memref<1x1664xf32, #tpu.memory_space<hbm>>
        %dma_start3A_41 = tpu.memref_squeeze %dma_start3A_40 : memref<1x1664xf32, #tpu.memory_space<hbm>> -> memref<1664xf32, #tpu.memory_space<hbm>>
        %dma_start3A_42 = arith.constant 0 : i32
        %dma_start3A_43 = tpu.memref_slice %arg2[%add3A_14, %dma_start3A_42] : memref<512x1664xf32, #tpu.memory_space<hbm>> -> memref<1x1664xf32, #tpu.memory_space<hbm>>
        %dma_start3A_44 = tpu.memref_squeeze %dma_start3A_43 : memref<1x1664xf32, #tpu.memory_space<hbm>> -> memref<1664xf32, #tpu.memory_space<hbm>>
        tpu.enqueue_dma source(%dma_start3A_44 : memref<1664xf32, #tpu.memory_space<hbm>>) target(%arg5 : memref<1664xf32, #tpu.memory_space<vmem>>) target_semaphore(%run_scoped3A : memref<!tpu.dma_semaphore, #tpu.memory_space<semaphore_mem>>)
        %dma_wait3A = arith.constant 0 : i32
        %dma_wait3A_45 = tpu.memref_slice %arg2[%add3A_14, %dma_wait3A] : memref<512x1664xf32, #tpu.memory_space<hbm>> -> memref<1x1664xf32, #tpu.memory_space<hbm>>
        %dma_wait3A_46 = tpu.memref_squeeze %dma_wait3A_45 : memref<1x1664xf32, #tpu.memory_space<hbm>> -> memref<1664xf32, #tpu.memory_space<hbm>>
        %dma_wait3A_47 = arith.constant 0 : i32
        %dma_wait3A_48 = tpu.memref_slice %arg2[%add3A_14, %dma_wait3A_47] : memref<512x1664xf32, #tpu.memory_space<hbm>> -> memref<1x1664xf32, #tpu.memory_space<hbm>>
        %dma_wait3A_49 = tpu.memref_squeeze %dma_wait3A_48 : memref<1x1664xf32, #tpu.memory_space<hbm>> -> memref<1664xf32, #tpu.memory_space<hbm>>
        tpu.wait_dma2 semaphore(%run_scoped3A : memref<!tpu.dma_semaphore, #tpu.memory_space<semaphore_mem>>) src(%dma_wait3A_49 : memref<1664xf32, #tpu.memory_space<hbm>>) dst(%arg5 : memref<1664xf32, #tpu.memory_space<vmem>>)
        tpu.yield
      }) : () -> ()
      %swap3A = arith.constant 0 : index
      %swap3A_15 = tpu.vector_load %arg6[%swap3A] {strides = array<i32>} : memref<1680xi32, #tpu.memory_space<vmem>>, vector<16xi32>,
      tpu.vector_store %arg6[%swap3A], %broadcast_in_dim3A_5 {strides = array<i32>} : memref<1680xi32, #tpu.memory_space<vmem>>, vector<16xi32>,
      %swap3A_16 = arith.constant 16 : index
      %swap3A_17 = tpu.vector_load %arg6[%swap3A_16] {strides = array<i32>} : memref<1680xi32, #tpu.memory_space<vmem>>, vector<16xi32>,
      tpu.vector_store %arg6[%swap3A_16], %broadcast_in_dim3A_5 {strides = array<i32>} : memref<1680xi32, #tpu.memory_space<vmem>>, vector<16xi32>,
      %swap3A_18 = arith.constant 32 : index
      %swap3A_19 = tpu.vector_load %arg6[%swap3A_18] {strides = array<i32>} : memref<1680xi32, #tpu.memory_space<vmem>>, vector<16xi32>,
      tpu.vector_store %arg6[%swap3A_18], %broadcast_in_dim3A_5 {strides = array<i32>} : memref<1680xi32, #tpu.memory_space<vmem>>, vector<16xi32>,
      %swap3A_20 = arith.constant 48 : index
      %swap3A_21 = tpu.vector_load %arg6[%swap3A_20] {strides = array<i32>} : memref<1680xi32, #tpu.memory_space<vmem>>, vector<16xi32>,
      tpu.vector_store %arg6[%swap3A_20], %broadcast_in_dim3A_5 {strides = array<i32>} : memref<1680xi32, #tpu.memory_space<vmem>>, vector<16xi32>,
      %swap3A_22 = arith.constant 64 : index
      %swap3A_23 = tpu.vector_load %arg6[%swap3A_22] {strides = array<i32>} : memref<1680xi32, #tpu.memory_space<vmem>>, vector<16xi32>,
      tpu.vector_store %arg6[%swap3A_22], %broadcast_in_dim3A_5 {strides = array<i32>} : memref<1680xi32, #tpu.memory_space<vmem>>, vector<16xi32>,
      %swap3A_24 = arith.constant 80 : index
      %swap3A_25 = tpu.vector_load %arg6[%swap3A_24] {strides = array<i32>} : memref<1680xi32, #tpu.memory_space<vmem>>, vector<16xi32>,
      tpu.vector_store %arg6[%swap3A_24], %broadcast_in_dim3A_5 {strides = array<i32>} : memref<1680xi32, #tpu.memory_space<vmem>>, vector<16xi32>,
      %swap3A_26 = arith.constant 96 : index
      %swap3A_27 = tpu.vector_load %arg6[%swap3A_26] {strides = array<i32>} : memref<1680xi32, #tpu.memory_space<vmem>>, vector<16xi32>,
      tpu.vector_store %arg6[%swap3A_26], %broadcast_in_dim3A_5 {strides = array<i32>} : memref<1680xi32, #tpu.memory_space<vmem>>, vector<16xi32>,
      %swap3A_28 = arith.constant 112 : index
      %swap3A_29 = tpu.vector_load %arg6[%swap3A_28] {strides = array<i32>} : memref<1680xi32, #tpu.memory_space<vmem>>, vector<16xi32>,
      tpu.vector_store %arg6[%swap3A_28], %broadcast_in_dim3A_5 {strides = array<i32>} : memref<1680xi32, #tpu.memory_space<vmem>>, vector<16xi32>,
      %mul3A_30 = arith.constant 16 : i32
      %mul3A_31 = arith.muli %scan3A_12, %mul3A_30 : i32
      %get3A = arith.index_cast %mul3A_31 : i32 to index
      %get3A_32 = tpu.vector_load %arg7[%get3A] {strides = array<i32>} : memref<256xf32, #tpu.memory_space<vmem>>, vector<16xf32>,
      %scan3A_33 = arith.constant 0 : i32
      %scan3A_34 = arith.constant 26 : i32
      %scan3A_35 = arith.addi %scan3A_33, %scan3A_34 : i32
      %scan3A_36 = arith.constant 1 : i32
      %scan3A_37 = scf.for %scan3A_40 = %scan3A_33 to %scan3A_35 step %scan3A_36 iter_args(%scan3A_41 = %broadcast_in_dim3A_5) -> (vector<16xi32>)  : i32 {
        %mul3A_42 = arith.constant 4 : i32
        %mul3A_43 = arith.muli %scan3A_40, %mul3A_42 : i32
        %add3A_44 = arith.constant 0 : i32
        %add3A_45 = arith.addi %mul3A_43, %add3A_44 : i32
        %mul3A_46 = arith.constant 16 : i32
        %mul3A_47 = arith.muli %add3A_45, %mul3A_46 : i32
        %get3A_48 = arith.index_cast %mul3A_47 : i32 to index
        %get3A_49 = tpu.vector_load %arg5[%get3A_48] {strides = array<i32>} : memref<1664xf32, #tpu.memory_space<vmem>>, vector<16xf32>,
        %le3A = arith.cmpf ole, %get3A_49, %get3A_32 : vector<16xf32>
        %jit3A = arith.constant 1 : i32
        %jit3A_50 = arith.constant 0 : i32
        %broadcast_in_dim3A_51 = vector.broadcast %jit3A : i32 to vector<16xi32>
        %broadcast_in_dim3A_52 = vector.broadcast %jit3A_50 : i32 to vector<16xi32>
        %select_n3A = arith.select %le3A, %broadcast_in_dim3A_51, %broadcast_in_dim3A_52 : vector<16xi1>, vector<16xi32>
        %broadcast_in_dim3A_53 = arith.constant true
        %broadcast_in_dim3A_54 = vector.broadcast %broadcast_in_dim3A_53 : i1 to vector<16xi1>
        %masked_cumsum3A = tpu.scan <sum>, %select_n3A masked %broadcast_in_dim3A_54 : vector<16xi32>, vector<16xi1> -> vector<16xi32>
        %all_reduce_population_count3A = tpu.all_reduce %le3A {dim = 0 : i64, kind = #tpu.reduction_kind<sum>} : vector<16xi1> -> vector<16xi32>
        %mul3A_55 = arith.constant 4 : i32
        %mul3A_56 = arith.muli %scan3A_40, %mul3A_55 : i32
        %add3A_57 = arith.constant 1 : i32
        %add3A_58 = arith.addi %mul3A_56, %add3A_57 : i32
        %mul3A_59 = arith.constant 16 : i32
        %mul3A_60 = arith.muli %add3A_58, %mul3A_59 : i32
        %get3A_61 = arith.index_cast %mul3A_60 : i32 to index
        %get3A_62 = tpu.vector_load %arg5[%get3A_61] {strides = array<i32>} : memref<1664xf32, #tpu.memory_space<vmem>>, vector<16xf32>,
        %le3A_63 = arith.cmpf ole, %get3A_62, %get3A_32 : vector<16xf32>
        %jit3A_64 = arith.constant 1 : i32
        %jit3A_65 = arith.constant 0 : i32
        %broadcast_in_dim3A_66 = vector.broadcast %jit3A_64 : i32 to vector<16xi32>
        %broadcast_in_dim3A_67 = vector.broadcast %jit3A_65 : i32 to vector<16xi32>
        %select_n3A_68 = arith.select %le3A_63, %broadcast_in_dim3A_66, %broadcast_in_dim3A_67 : vector<16xi1>, vector<16xi32>
        %broadcast_in_dim3A_69 = arith.constant true
        %broadcast_in_dim3A_70 = vector.broadcast %broadcast_in_dim3A_69 : i1 to vector<16xi1>
        %masked_cumsum3A_71 = tpu.scan <sum>, %select_n3A_68 masked %broadcast_in_dim3A_70 : vector<16xi32>, vector<16xi1> -> vector<16xi32>
        %all_reduce_population_count3A_72 = tpu.all_reduce %le3A_63 {dim = 0 : i64, kind = #tpu.reduction_kind<sum>} : vector<16xi1> -> vector<16xi32>
        %mul3A_73 = arith.constant 4 : i32
        %mul3A_74 = arith.muli %scan3A_40, %mul3A_73 : i32
        %add3A_75 = arith.constant 2 : i32
        %add3A_76 = arith.addi %mul3A_74, %add3A_75 : i32
        %mul3A_77 = arith.constant 16 : i32
        %mul3A_78 = arith.muli %add3A_76, %mul3A_77 : i32
        %get3A_79 = arith.index_cast %mul3A_78 : i32 to index
        %get3A_80 = tpu.vector_load %arg5[%get3A_79] {strides = array<i32>} : memref<1664xf32, #tpu.memory_space<vmem>>, vector<16xf32>,
        %le3A_81 = arith.cmpf ole, %get3A_80, %get3A_32 : vector<16xf32>
        %jit3A_82 = arith.constant 1 : i32
        %jit3A_83 = arith.constant 0 : i32
        %broadcast_in_dim3A_84 = vector.broadcast %jit3A_82 : i32 to vector<16xi32>
        %broadcast_in_dim3A_85 = vector.broadcast %jit3A_83 : i32 to vector<16xi32>
        %select_n3A_86 = arith.select %le3A_81, %broadcast_in_dim3A_84, %broadcast_in_dim3A_85 : vector<16xi1>, vector<16xi32>
        %broadcast_in_dim3A_87 = arith.constant true
        %broadcast_in_dim3A_88 = vector.broadcast %broadcast_in_dim3A_87 : i1 to vector<16xi1>
        %masked_cumsum3A_89 = tpu.scan <sum>, %select_n3A_86 masked %broadcast_in_dim3A_88 : vector<16xi32>, vector<16xi1> -> vector<16xi32>
        %all_reduce_population_count3A_90 = tpu.all_reduce %le3A_81 {dim = 0 : i64, kind = #tpu.reduction_kind<sum>} : vector<16xi1> -> vector<16xi32>
        %mul3A_91 = arith.constant 4 : i32
        %mul3A_92 = arith.muli %scan3A_40, %mul3A_91 : i32
        %add3A_93 = arith.constant 3 : i32
        %add3A_94 = arith.addi %mul3A_92, %add3A_93 : i32
        %mul3A_95 = arith.constant 16 : i32
        %mul3A_96 = arith.muli %add3A_94, %mul3A_95 : i32
        %get3A_97 = arith.index_cast %mul3A_96 : i32 to index
        %get3A_98 = tpu.vector_load %arg5[%get3A_97] {strides = array<i32>} : memref<1664xf32, #tpu.memory_space<vmem>>, vector<16xf32>,
        %le3A_99 = arith.cmpf ole, %get3A_98, %get3A_32 : vector<16xf32>
        %jit3A_100 = arith.constant 1 : i32
        %jit3A_101 = arith.constant 0 : i32
        %broadcast_in_dim3A_102 = vector.broadcast %jit3A_100 : i32 to vector<16xi32>
        %broadcast_in_dim3A_103 = vector.broadcast %jit3A_101 : i32 to vector<16xi32>
        %select_n3A_104 = arith.select %le3A_99, %broadcast_in_dim3A_102, %broadcast_in_dim3A_103 : vector<16xi1>, vector<16xi32>
        %broadcast_in_dim3A_105 = arith.constant true
        %broadcast_in_dim3A_106 = vector.broadcast %broadcast_in_dim3A_105 : i1 to vector<16xi1>
        %masked_cumsum3A_107 = tpu.scan <sum>, %select_n3A_104 masked %broadcast_in_dim3A_106 : vector<16xi32>, vector<16xi1> -> vector<16xi32>
        %all_reduce_population_count3A_108 = tpu.all_reduce %le3A_99 {dim = 0 : i64, kind = #tpu.reduction_kind<sum>} : vector<16xi1> -> vector<16xi32>
        %add3A_109 = arith.addi %masked_cumsum3A, %scan3A_41 : vector<16xi32>
        %sub3A = arith.constant 1 : i32
        %sub3A_110 = vector.broadcast %sub3A : i32 to vector<16xi32>
        %sub3A_111 = arith.subi %add3A_109, %sub3A_110 : vector<16xi32>
        %mul3A_112 = arith.constant 4 : i32
        %mul3A_113 = arith.muli %scan3A_40, %mul3A_112 : i32
        %add3A_114 = arith.constant 0 : i32
        %add3A_115 = arith.addi %mul3A_113, %add3A_114 : i32
        %mul3A_116 = arith.constant 16 : i32
        %mul3A_117 = arith.muli %add3A_115, %mul3A_116 : i32
        %add3A_118 = vector.broadcast %mul3A_117 : i32 to vector<16xi32>
        %add3A_119 = arith.addi %iota3A, %add3A_118 : vector<16xi32>
        tpu.vector_store_idx %arg6[%sub3A_111], %add3A_119 masked %le3A : memref<1680xi32, #tpu.memory_space<vmem>>[vector<16xi32>], vector<16xi32>, vector<16xi1>
        %add3A_120 = arith.addi %scan3A_41, %all_reduce_population_count3A : vector<16xi32>
        %add3A_121 = arith.addi %masked_cumsum3A_71, %add3A_120 : vector<16xi32>
        %sub3A_122 = arith.constant 1 : i32
        %sub3A_123 = vector.broadcast %sub3A_122 : i32 to vector<16xi32>
        %sub3A_124 = arith.subi %add3A_121, %sub3A_123 : vector<16xi32>
        %mul3A_125 = arith.constant 4 : i32
        %mul3A_126 = arith.muli %scan3A_40, %mul3A_125 : i32
        %add3A_127 = arith.constant 1 : i32
        %add3A_128 = arith.addi %mul3A_126, %add3A_127 : i32
        %mul3A_129 = arith.constant 16 : i32
        %mul3A_130 = arith.muli %add3A_128, %mul3A_129 : i32
        %add3A_131 = vector.broadcast %mul3A_130 : i32 to vector<16xi32>
        %add3A_132 = arith.addi %iota3A, %add3A_131 : vector<16xi32>
        tpu.vector_store_idx %arg6[%sub3A_124], %add3A_132 masked %le3A_63 : memref<1680xi32, #tpu.memory_space<vmem>>[vector<16xi32>], vector<16xi32>, vector<16xi1>
        %add3A_133 = arith.addi %add3A_120, %all_reduce_population_count3A_72 : vector<16xi32>
        %add3A_134 = arith.addi %masked_cumsum3A_89, %add3A_133 : vector<16xi32>
        %sub3A_135 = arith.constant 1 : i32
        %sub3A_136 = vector.broadcast %sub3A_135 : i32 to vector<16xi32>
        %sub3A_137 = arith.subi %add3A_134, %sub3A_136 : vector<16xi32>
        %mul3A_138 = arith.constant 4 : i32
        %mul3A_139 = arith.muli %scan3A_40, %mul3A_138 : i32
        %add3A_140 = arith.constant 2 : i32
        %add3A_141 = arith.addi %mul3A_139, %add3A_140 : i32
        %mul3A_142 = arith.constant 16 : i32
        %mul3A_143 = arith.muli %add3A_141, %mul3A_142 : i32
        %add3A_144 = vector.broadcast %mul3A_143 : i32 to vector<16xi32>
        %add3A_145 = arith.addi %iota3A, %add3A_144 : vector<16xi32>
        tpu.vector_store_idx %arg6[%sub3A_137], %add3A_145 masked %le3A_81 : memref<1680xi32, #tpu.memory_space<vmem>>[vector<16xi32>], vector<16xi32>, vector<16xi1>
        %add3A_146 = arith.addi %add3A_133, %all_reduce_population_count3A_90 : vector<16xi32>
        %add3A_147 = arith.addi %masked_cumsum3A_107, %add3A_146 : vector<16xi32>
        %sub3A_148 = arith.constant 1 : i32
        %sub3A_149 = vector.broadcast %sub3A_148 : i32 to vector<16xi32>
        %sub3A_150 = arith.subi %add3A_147, %sub3A_149 : vector<16xi32>
        %mul3A_151 = arith.constant 4 : i32
        %mul3A_152 = arith.muli %scan3A_40, %mul3A_151 : i32
        %add3A_153 = arith.constant 3 : i32
        %add3A_154 = arith.addi %mul3A_152, %add3A_153 : i32
        %mul3A_155 = arith.constant 16 : i32
        %mul3A_156 = arith.muli %add3A_154, %mul3A_155 : i32
        %add3A_157 = vector.broadcast %mul3A_156 : i32 to vector<16xi32>
        %add3A_158 = arith.addi %iota3A, %add3A_157 : vector<16xi32>
        tpu.vector_store_idx %arg6[%sub3A_150], %add3A_158 masked %le3A_99 : memref<1680xi32, #tpu.memory_space<vmem>>[vector<16xi32>], vector<16xi32>, vector<16xi1>
        %add3A_159 = arith.addi %add3A_146, %all_reduce_population_count3A_108 : vector<16xi32>
        scf.yield %add3A_159 : vector<16xi32>
      }
      %scan3A_38 = arith.constant 26 : i32
      "tpu.region"() ({
        %run_scoped3A = tpu.sem_alloc : memref<!tpu.dma_semaphore, #tpu.memory_space<semaphore_mem>>
        %dma_start3A = arith.constant 0 : i32
        %dma_start3A_40 = tpu.memref_slice %arg6[%dma_start3A] : memref<1680xi32, #tpu.memory_space<vmem>> -> memref<128xi32, #tpu.memory_space<vmem>>
        %dma_start3A_41 = arith.constant 0 : i32
        %dma_start3A_42 = tpu.memref_slice %arg4[%add3A_14, %dma_start3A_41] : memref<512x128xi32, #tpu.memory_space<hbm>> -> memref<1x128xi32, #tpu.memory_space<hbm>>
        %dma_start3A_43 = tpu.memref_squeeze %dma_start3A_42 : memref<1x128xi32, #tpu.memory_space<hbm>> -> memref<128xi32, #tpu.memory_space<hbm>>
        %dma_start3A_44 = arith.constant 0 : i32
        %dma_start3A_45 = tpu.memref_slice %arg4[%add3A_14, %dma_start3A_44] : memref<512x128xi32, #tpu.memory_space<hbm>> -> memref<1x128xi32, #tpu.memory_space<hbm>>
        %dma_start3A_46 = tpu.memref_squeeze %dma_start3A_45 : memref<1x128xi32, #tpu.memory_space<hbm>> -> memref<128xi32, #tpu.memory_space<hbm>>
        %dma_start3A_47 = arith.constant 0 : i32
        %dma_start3A_48 = tpu.memref_slice %arg6[%dma_start3A_47] : memref<1680xi32, #tpu.memory_space<vmem>> -> memref<128xi32, #tpu.memory_space<vmem>>
        tpu.enqueue_dma source(%dma_start3A_48 : memref<128xi32, #tpu.memory_space<vmem>>) target(%dma_start3A_46 : memref<128xi32, #tpu.memory_space<hbm>>) target_semaphore(%run_scoped3A : memref<!tpu.dma_semaphore, #tpu.memory_space<semaphore_mem>>)
        %dma_wait3A = arith.constant 0 : i32
        %dma_wait3A_49 = tpu.memref_slice %arg6[%dma_wait3A] : memref<1680xi32, #tpu.memory_space<vmem>> -> memref<128xi32, #tpu.memory_space<vmem>>
        %dma_wait3A_50 = arith.constant 0 : i32
        %dma_wait3A_51 = tpu.memref_slice %arg4[%add3A_14, %dma_wait3A_50] : memref<512x128xi32, #tpu.memory_space<hbm>> -> memref<1x128xi32, #tpu.memory_space<hbm>>
        %dma_wait3A_52 = tpu.memref_squeeze %dma_wait3A_51 : memref<1x128xi32, #tpu.memory_space<hbm>> -> memref<128xi32, #tpu.memory_space<hbm>>
        %dma_wait3A_53 = arith.constant 0 : i32
        %dma_wait3A_54 = tpu.memref_slice %arg4[%add3A_14, %dma_wait3A_53] : memref<512x128xi32, #tpu.memory_space<hbm>> -> memref<1x128xi32, #tpu.memory_space<hbm>>
        %dma_wait3A_55 = tpu.memref_squeeze %dma_wait3A_54 : memref<1x128xi32, #tpu.memory_space<hbm>> -> memref<128xi32, #tpu.memory_space<hbm>>
        %dma_wait3A_56 = arith.constant 0 : i32
        %dma_wait3A_57 = tpu.memref_slice %arg6[%dma_wait3A_56] : memref<1680xi32, #tpu.memory_space<vmem>> -> memref<128xi32, #tpu.memory_space<vmem>>
        tpu.wait_dma2 semaphore(%run_scoped3A : memref<!tpu.dma_semaphore, #tpu.memory_space<semaphore_mem>>) src(%dma_wait3A_57 : memref<128xi32, #tpu.memory_space<vmem>>) dst(%dma_wait3A_55 : memref<128xi32, #tpu.memory_space<hbm>>)
        tpu.yield
      }) : () -> ()
      %scan3A_39 = arith.constant 0 : i32
      scf.yield %scan3A_39 : i32
    }
    %scan3A_11 = arith.constant 16 : i32
    return
  }
}

#map = affine_map<(d0, d1) -> (0, 0)>
#map1 = affine_map<(d0, d1) -> (0)>
module attributes {stable_mosaic.version = 14 : i64} {
  func.func @k(%arg0: i32, %arg1: i32, %arg2: memref<1792x8192xf32, #tpu.memory_space<hbm>>, %arg3: memref<28672xf32, #tpu.memory_space<hbm>>, %arg4: memref<1792x128xi32, #tpu.memory_space<hbm>>, %arg5: memref<8192xf32, #tpu.memory_space<vmem>>, %arg6: memref<8208xi32, #tpu.memory_space<vmem>>, %arg7: memref<896xf32, #tpu.memory_space<vmem>>) attributes {dimension_semantics = [#tpu.dimension_semantics<core_parallel>, #tpu.dimension_semantics<subcore_parallel>], iteration_bounds = array<i64: 2, 16>, scalar_prefetch = 0 : i64, scratch_operands = 3 : i64, tpu.core_type = #tpu.core_type<sc_vector_subcore>, window_params = [{transform_indices = #map}, {transform_indices = #map1}, {transform_indices = #map}]} {
    %mul3A = arith.constant 2 : i32
    %mul3A_0 = arith.muli %arg1, %mul3A : i32
    %add3A = arith.addi %mul3A_0, %arg0 : i32
    %mul3A_1 = arith.constant 56 : i32
    %mul3A_2 = arith.muli %add3A, %mul3A_1 : i32
    %mul3A_3 = arith.constant 16 : i32
    %mul3A_4 = arith.muli %mul3A_2, %mul3A_3 : i32
    "tpu.region"() ({
      %run_scoped3A = tpu.sem_alloc : memref<!tpu.dma_semaphore, #tpu.memory_space<semaphore_mem>>
      %dma_start3A = tpu.memref_slice %arg3[%mul3A_4] : memref<28672xf32, #tpu.memory_space<hbm>> -> memref<896xf32, #tpu.memory_space<hbm>>
      %dma_start3A_12 = tpu.memref_slice %arg3[%mul3A_4] : memref<28672xf32, #tpu.memory_space<hbm>> -> memref<896xf32, #tpu.memory_space<hbm>>
      tpu.enqueue_dma source(%dma_start3A_12 : memref<896xf32, #tpu.memory_space<hbm>>) target(%arg7 : memref<896xf32, #tpu.memory_space<vmem>>) target_semaphore(%run_scoped3A : memref<!tpu.dma_semaphore, #tpu.memory_space<semaphore_mem>>)
      %dma_wait3A = tpu.memref_slice %arg3[%mul3A_4] : memref<28672xf32, #tpu.memory_space<hbm>> -> memref<896xf32, #tpu.memory_space<hbm>>
      %dma_wait3A_13 = tpu.memref_slice %arg3[%mul3A_4] : memref<28672xf32, #tpu.memory_space<hbm>> -> memref<896xf32, #tpu.memory_space<hbm>>
      tpu.wait_dma2 semaphore(%run_scoped3A : memref<!tpu.dma_semaphore, #tpu.memory_space<semaphore_mem>>) src(%dma_wait3A_13 : memref<896xf32, #tpu.memory_space<hbm>>) dst(%arg7 : memref<896xf32, #tpu.memory_space<vmem>>)
      tpu.yield
    }) : () -> ()
    %broadcast_in_dim3A = arith.constant 0 : i32
    %broadcast_in_dim3A_5 = vector.broadcast %broadcast_in_dim3A : i32 to vector<16xi32>
    %iota3A = tpu.iota {dimensions = array<i32: 0>} : vector<16xi32>
    %scan3A = arith.constant 0 : i32
    %scan3A_6 = arith.constant 0 : i32
    %scan3A_7 = arith.constant 56 : i32
    %scan3A_8 = arith.addi %scan3A_6, %scan3A_7 : i32
    %scan3A_9 = arith.constant 1 : i32
    %scan3A_10 = scf.for %scan3A_12 = %scan3A_6 to %scan3A_8 step %scan3A_9 iter_args(%scan3A_13 = %scan3A) -> (i32)  : i32 {
      %add3A_14 = arith.addi %mul3A_2, %scan3A_12 : i32
      "tpu.region"() ({
        %run_scoped3A = tpu.sem_alloc : memref<!tpu.dma_semaphore, #tpu.memory_space<semaphore_mem>>
        %dma_start3A = arith.constant 0 : i32
        %dma_start3A_40 = tpu.memref_slice %arg2[%add3A_14, %dma_start3A] : memref<1792x8192xf32, #tpu.memory_space<hbm>> -> memref<1x8192xf32, #tpu.memory_space<hbm>>
        %dma_start3A_41 = tpu.memref_squeeze %dma_start3A_40 : memref<1x8192xf32, #tpu.memory_space<hbm>> -> memref<8192xf32, #tpu.memory_space<hbm>>
        %dma_start3A_42 = arith.constant 0 : i32
        %dma_start3A_43 = tpu.memref_slice %arg2[%add3A_14, %dma_start3A_42] : memref<1792x8192xf32, #tpu.memory_space<hbm>> -> memref<1x8192xf32, #tpu.memory_space<hbm>>
        %dma_start3A_44 = tpu.memref_squeeze %dma_start3A_43 : memref<1x8192xf32, #tpu.memory_space<hbm>> -> memref<8192xf32, #tpu.memory_space<hbm>>
        tpu.enqueue_dma source(%dma_start3A_44 : memref<8192xf32, #tpu.memory_space<hbm>>) target(%arg5 : memref<8192xf32, #tpu.memory_space<vmem>>) target_semaphore(%run_scoped3A : memref<!tpu.dma_semaphore, #tpu.memory_space<semaphore_mem>>)
        %dma_wait3A = arith.constant 0 : i32
        %dma_wait3A_45 = tpu.memref_slice %arg2[%add3A_14, %dma_wait3A] : memref<1792x8192xf32, #tpu.memory_space<hbm>> -> memref<1x8192xf32, #tpu.memory_space<hbm>>
        %dma_wait3A_46 = tpu.memref_squeeze %dma_wait3A_45 : memref<1x8192xf32, #tpu.memory_space<hbm>> -> memref<8192xf32, #tpu.memory_space<hbm>>
        %dma_wait3A_47 = arith.constant 0 : i32
        %dma_wait3A_48 = tpu.memref_slice %arg2[%add3A_14, %dma_wait3A_47] : memref<1792x8192xf32, #tpu.memory_space<hbm>> -> memref<1x8192xf32, #tpu.memory_space<hbm>>
        %dma_wait3A_49 = tpu.memref_squeeze %dma_wait3A_48 : memref<1x8192xf32, #tpu.memory_space<hbm>> -> memref<8192xf32, #tpu.memory_space<hbm>>
        tpu.wait_dma2 semaphore(%run_scoped3A : memref<!tpu.dma_semaphore, #tpu.memory_space<semaphore_mem>>) src(%dma_wait3A_49 : memref<8192xf32, #tpu.memory_space<hbm>>) dst(%arg5 : memref<8192xf32, #tpu.memory_space<vmem>>)
        tpu.yield
      }) : () -> ()
      %swap3A = arith.constant 0 : index
      %swap3A_15 = tpu.vector_load %arg6[%swap3A] {strides = array<i32>} : memref<8208xi32, #tpu.memory_space<vmem>>, vector<16xi32>,
      tpu.vector_store %arg6[%swap3A], %broadcast_in_dim3A_5 {strides = array<i32>} : memref<8208xi32, #tpu.memory_space<vmem>>, vector<16xi32>,
      %swap3A_16 = arith.constant 16 : index
      %swap3A_17 = tpu.vector_load %arg6[%swap3A_16] {strides = array<i32>} : memref<8208xi32, #tpu.memory_space<vmem>>, vector<16xi32>,
      tpu.vector_store %arg6[%swap3A_16], %broadcast_in_dim3A_5 {strides = array<i32>} : memref<8208xi32, #tpu.memory_space<vmem>>, vector<16xi32>,
      %swap3A_18 = arith.constant 32 : index
      %swap3A_19 = tpu.vector_load %arg6[%swap3A_18] {strides = array<i32>} : memref<8208xi32, #tpu.memory_space<vmem>>, vector<16xi32>,
      tpu.vector_store %arg6[%swap3A_18], %broadcast_in_dim3A_5 {strides = array<i32>} : memref<8208xi32, #tpu.memory_space<vmem>>, vector<16xi32>,
      %swap3A_20 = arith.constant 48 : index
      %swap3A_21 = tpu.vector_load %arg6[%swap3A_20] {strides = array<i32>} : memref<8208xi32, #tpu.memory_space<vmem>>, vector<16xi32>,
      tpu.vector_store %arg6[%swap3A_20], %broadcast_in_dim3A_5 {strides = array<i32>} : memref<8208xi32, #tpu.memory_space<vmem>>, vector<16xi32>,
      %swap3A_22 = arith.constant 64 : index
      %swap3A_23 = tpu.vector_load %arg6[%swap3A_22] {strides = array<i32>} : memref<8208xi32, #tpu.memory_space<vmem>>, vector<16xi32>,
      tpu.vector_store %arg6[%swap3A_22], %broadcast_in_dim3A_5 {strides = array<i32>} : memref<8208xi32, #tpu.memory_space<vmem>>, vector<16xi32>,
      %swap3A_24 = arith.constant 80 : index
      %swap3A_25 = tpu.vector_load %arg6[%swap3A_24] {strides = array<i32>} : memref<8208xi32, #tpu.memory_space<vmem>>, vector<16xi32>,
      tpu.vector_store %arg6[%swap3A_24], %broadcast_in_dim3A_5 {strides = array<i32>} : memref<8208xi32, #tpu.memory_space<vmem>>, vector<16xi32>,
      %swap3A_26 = arith.constant 96 : index
      %swap3A_27 = tpu.vector_load %arg6[%swap3A_26] {strides = array<i32>} : memref<8208xi32, #tpu.memory_space<vmem>>, vector<16xi32>,
      tpu.vector_store %arg6[%swap3A_26], %broadcast_in_dim3A_5 {strides = array<i32>} : memref<8208xi32, #tpu.memory_space<vmem>>, vector<16xi32>,
      %swap3A_28 = arith.constant 112 : index
      %swap3A_29 = tpu.vector_load %arg6[%swap3A_28] {strides = array<i32>} : memref<8208xi32, #tpu.memory_space<vmem>>, vector<16xi32>,
      tpu.vector_store %arg6[%swap3A_28], %broadcast_in_dim3A_5 {strides = array<i32>} : memref<8208xi32, #tpu.memory_space<vmem>>, vector<16xi32>,
      %mul3A_30 = arith.constant 16 : i32
      %mul3A_31 = arith.muli %scan3A_12, %mul3A_30 : i32
      %get3A = arith.index_cast %mul3A_31 : i32 to index
      %get3A_32 = tpu.vector_load %arg7[%get3A] {strides = array<i32>} : memref<896xf32, #tpu.memory_space<vmem>>, vector<16xf32>,
      %scan3A_33 = arith.constant 0 : i32
      %scan3A_34 = arith.constant 128 : i32
      %scan3A_35 = arith.addi %scan3A_33, %scan3A_34 : i32
      %scan3A_36 = arith.constant 1 : i32
      %scan3A_37 = scf.for %scan3A_40 = %scan3A_33 to %scan3A_35 step %scan3A_36 iter_args(%scan3A_41 = %broadcast_in_dim3A_5) -> (vector<16xi32>)  : i32 {
        %mul3A_42 = arith.constant 4 : i32
        %mul3A_43 = arith.muli %scan3A_40, %mul3A_42 : i32
        %add3A_44 = arith.constant 0 : i32
        %add3A_45 = arith.addi %mul3A_43, %add3A_44 : i32
        %mul3A_46 = arith.constant 16 : i32
        %mul3A_47 = arith.muli %add3A_45, %mul3A_46 : i32
        %get3A_48 = arith.index_cast %mul3A_47 : i32 to index
        %get3A_49 = tpu.vector_load %arg5[%get3A_48] {strides = array<i32>} : memref<8192xf32, #tpu.memory_space<vmem>>, vector<16xf32>,
        %le3A = arith.cmpf ole, %get3A_49, %get3A_32 : vector<16xf32>
        %jit3A = arith.constant 1 : i32
        %jit3A_50 = arith.constant 0 : i32
        %broadcast_in_dim3A_51 = vector.broadcast %jit3A : i32 to vector<16xi32>
        %broadcast_in_dim3A_52 = vector.broadcast %jit3A_50 : i32 to vector<16xi32>
        %select_n3A = arith.select %le3A, %broadcast_in_dim3A_51, %broadcast_in_dim3A_52 : vector<16xi1>, vector<16xi32>
        %broadcast_in_dim3A_53 = arith.constant true
        %broadcast_in_dim3A_54 = vector.broadcast %broadcast_in_dim3A_53 : i1 to vector<16xi1>
        %masked_cumsum3A = tpu.scan <sum>, %select_n3A masked %broadcast_in_dim3A_54 : vector<16xi32>, vector<16xi1> -> vector<16xi32>
        %all_reduce_population_count3A = tpu.all_reduce %le3A {dim = 0 : i64, kind = #tpu.reduction_kind<sum>} : vector<16xi1> -> vector<16xi32>
        %mul3A_55 = arith.constant 4 : i32
        %mul3A_56 = arith.muli %scan3A_40, %mul3A_55 : i32
        %add3A_57 = arith.constant 1 : i32
        %add3A_58 = arith.addi %mul3A_56, %add3A_57 : i32
        %mul3A_59 = arith.constant 16 : i32
        %mul3A_60 = arith.muli %add3A_58, %mul3A_59 : i32
        %get3A_61 = arith.index_cast %mul3A_60 : i32 to index
        %get3A_62 = tpu.vector_load %arg5[%get3A_61] {strides = array<i32>} : memref<8192xf32, #tpu.memory_space<vmem>>, vector<16xf32>,
        %le3A_63 = arith.cmpf ole, %get3A_62, %get3A_32 : vector<16xf32>
        %jit3A_64 = arith.constant 1 : i32
        %jit3A_65 = arith.constant 0 : i32
        %broadcast_in_dim3A_66 = vector.broadcast %jit3A_64 : i32 to vector<16xi32>
        %broadcast_in_dim3A_67 = vector.broadcast %jit3A_65 : i32 to vector<16xi32>
        %select_n3A_68 = arith.select %le3A_63, %broadcast_in_dim3A_66, %broadcast_in_dim3A_67 : vector<16xi1>, vector<16xi32>
        %broadcast_in_dim3A_69 = arith.constant true
        %broadcast_in_dim3A_70 = vector.broadcast %broadcast_in_dim3A_69 : i1 to vector<16xi1>
        %masked_cumsum3A_71 = tpu.scan <sum>, %select_n3A_68 masked %broadcast_in_dim3A_70 : vector<16xi32>, vector<16xi1> -> vector<16xi32>
        %all_reduce_population_count3A_72 = tpu.all_reduce %le3A_63 {dim = 0 : i64, kind = #tpu.reduction_kind<sum>} : vector<16xi1> -> vector<16xi32>
        %mul3A_73 = arith.constant 4 : i32
        %mul3A_74 = arith.muli %scan3A_40, %mul3A_73 : i32
        %add3A_75 = arith.constant 2 : i32
        %add3A_76 = arith.addi %mul3A_74, %add3A_75 : i32
        %mul3A_77 = arith.constant 16 : i32
        %mul3A_78 = arith.muli %add3A_76, %mul3A_77 : i32
        %get3A_79 = arith.index_cast %mul3A_78 : i32 to index
        %get3A_80 = tpu.vector_load %arg5[%get3A_79] {strides = array<i32>} : memref<8192xf32, #tpu.memory_space<vmem>>, vector<16xf32>,
        %le3A_81 = arith.cmpf ole, %get3A_80, %get3A_32 : vector<16xf32>
        %jit3A_82 = arith.constant 1 : i32
        %jit3A_83 = arith.constant 0 : i32
        %broadcast_in_dim3A_84 = vector.broadcast %jit3A_82 : i32 to vector<16xi32>
        %broadcast_in_dim3A_85 = vector.broadcast %jit3A_83 : i32 to vector<16xi32>
        %select_n3A_86 = arith.select %le3A_81, %broadcast_in_dim3A_84, %broadcast_in_dim3A_85 : vector<16xi1>, vector<16xi32>
        %broadcast_in_dim3A_87 = arith.constant true
        %broadcast_in_dim3A_88 = vector.broadcast %broadcast_in_dim3A_87 : i1 to vector<16xi1>
        %masked_cumsum3A_89 = tpu.scan <sum>, %select_n3A_86 masked %broadcast_in_dim3A_88 : vector<16xi32>, vector<16xi1> -> vector<16xi32>
        %all_reduce_population_count3A_90 = tpu.all_reduce %le3A_81 {dim = 0 : i64, kind = #tpu.reduction_kind<sum>} : vector<16xi1> -> vector<16xi32>
        %mul3A_91 = arith.constant 4 : i32
        %mul3A_92 = arith.muli %scan3A_40, %mul3A_91 : i32
        %add3A_93 = arith.constant 3 : i32
        %add3A_94 = arith.addi %mul3A_92, %add3A_93 : i32
        %mul3A_95 = arith.constant 16 : i32
        %mul3A_96 = arith.muli %add3A_94, %mul3A_95 : i32
        %get3A_97 = arith.index_cast %mul3A_96 : i32 to index
        %get3A_98 = tpu.vector_load %arg5[%get3A_97] {strides = array<i32>} : memref<8192xf32, #tpu.memory_space<vmem>>, vector<16xf32>,
        %le3A_99 = arith.cmpf ole, %get3A_98, %get3A_32 : vector<16xf32>
        %jit3A_100 = arith.constant 1 : i32
        %jit3A_101 = arith.constant 0 : i32
        %broadcast_in_dim3A_102 = vector.broadcast %jit3A_100 : i32 to vector<16xi32>
        %broadcast_in_dim3A_103 = vector.broadcast %jit3A_101 : i32 to vector<16xi32>
        %select_n3A_104 = arith.select %le3A_99, %broadcast_in_dim3A_102, %broadcast_in_dim3A_103 : vector<16xi1>, vector<16xi32>
        %broadcast_in_dim3A_105 = arith.constant true
        %broadcast_in_dim3A_106 = vector.broadcast %broadcast_in_dim3A_105 : i1 to vector<16xi1>
        %masked_cumsum3A_107 = tpu.scan <sum>, %select_n3A_104 masked %broadcast_in_dim3A_106 : vector<16xi32>, vector<16xi1> -> vector<16xi32>
        %all_reduce_population_count3A_108 = tpu.all_reduce %le3A_99 {dim = 0 : i64, kind = #tpu.reduction_kind<sum>} : vector<16xi1> -> vector<16xi32>
        %add3A_109 = arith.addi %masked_cumsum3A, %scan3A_41 : vector<16xi32>
        %sub3A = arith.constant 1 : i32
        %sub3A_110 = vector.broadcast %sub3A : i32 to vector<16xi32>
        %sub3A_111 = arith.subi %add3A_109, %sub3A_110 : vector<16xi32>
        %mul3A_112 = arith.constant 4 : i32
        %mul3A_113 = arith.muli %scan3A_40, %mul3A_112 : i32
        %add3A_114 = arith.constant 0 : i32
        %add3A_115 = arith.addi %mul3A_113, %add3A_114 : i32
        %mul3A_116 = arith.constant 16 : i32
        %mul3A_117 = arith.muli %add3A_115, %mul3A_116 : i32
        %add3A_118 = vector.broadcast %mul3A_117 : i32 to vector<16xi32>
        %add3A_119 = arith.addi %iota3A, %add3A_118 : vector<16xi32>
        tpu.vector_store_idx %arg6[%sub3A_111], %add3A_119 masked %le3A : memref<8208xi32, #tpu.memory_space<vmem>>[vector<16xi32>], vector<16xi32>, vector<16xi1>
        %add3A_120 = arith.addi %scan3A_41, %all_reduce_population_count3A : vector<16xi32>
        %add3A_121 = arith.addi %masked_cumsum3A_71, %add3A_120 : vector<16xi32>
        %sub3A_122 = arith.constant 1 : i32
        %sub3A_123 = vector.broadcast %sub3A_122 : i32 to vector<16xi32>
        %sub3A_124 = arith.subi %add3A_121, %sub3A_123 : vector<16xi32>
        %mul3A_125 = arith.constant 4 : i32
        %mul3A_126 = arith.muli %scan3A_40, %mul3A_125 : i32
        %add3A_127 = arith.constant 1 : i32
        %add3A_128 = arith.addi %mul3A_126, %add3A_127 : i32
        %mul3A_129 = arith.constant 16 : i32
        %mul3A_130 = arith.muli %add3A_128, %mul3A_129 : i32
        %add3A_131 = vector.broadcast %mul3A_130 : i32 to vector<16xi32>
        %add3A_132 = arith.addi %iota3A, %add3A_131 : vector<16xi32>
        tpu.vector_store_idx %arg6[%sub3A_124], %add3A_132 masked %le3A_63 : memref<8208xi32, #tpu.memory_space<vmem>>[vector<16xi32>], vector<16xi32>, vector<16xi1>
        %add3A_133 = arith.addi %add3A_120, %all_reduce_population_count3A_72 : vector<16xi32>
        %add3A_134 = arith.addi %masked_cumsum3A_89, %add3A_133 : vector<16xi32>
        %sub3A_135 = arith.constant 1 : i32
        %sub3A_136 = vector.broadcast %sub3A_135 : i32 to vector<16xi32>
        %sub3A_137 = arith.subi %add3A_134, %sub3A_136 : vector<16xi32>
        %mul3A_138 = arith.constant 4 : i32
        %mul3A_139 = arith.muli %scan3A_40, %mul3A_138 : i32
        %add3A_140 = arith.constant 2 : i32
        %add3A_141 = arith.addi %mul3A_139, %add3A_140 : i32
        %mul3A_142 = arith.constant 16 : i32
        %mul3A_143 = arith.muli %add3A_141, %mul3A_142 : i32
        %add3A_144 = vector.broadcast %mul3A_143 : i32 to vector<16xi32>
        %add3A_145 = arith.addi %iota3A, %add3A_144 : vector<16xi32>
        tpu.vector_store_idx %arg6[%sub3A_137], %add3A_145 masked %le3A_81 : memref<8208xi32, #tpu.memory_space<vmem>>[vector<16xi32>], vector<16xi32>, vector<16xi1>
        %add3A_146 = arith.addi %add3A_133, %all_reduce_population_count3A_90 : vector<16xi32>
        %add3A_147 = arith.addi %masked_cumsum3A_107, %add3A_146 : vector<16xi32>
        %sub3A_148 = arith.constant 1 : i32
        %sub3A_149 = vector.broadcast %sub3A_148 : i32 to vector<16xi32>
        %sub3A_150 = arith.subi %add3A_147, %sub3A_149 : vector<16xi32>
        %mul3A_151 = arith.constant 4 : i32
        %mul3A_152 = arith.muli %scan3A_40, %mul3A_151 : i32
        %add3A_153 = arith.constant 3 : i32
        %add3A_154 = arith.addi %mul3A_152, %add3A_153 : i32
        %mul3A_155 = arith.constant 16 : i32
        %mul3A_156 = arith.muli %add3A_154, %mul3A_155 : i32
        %add3A_157 = vector.broadcast %mul3A_156 : i32 to vector<16xi32>
        %add3A_158 = arith.addi %iota3A, %add3A_157 : vector<16xi32>
        tpu.vector_store_idx %arg6[%sub3A_150], %add3A_158 masked %le3A_99 : memref<8208xi32, #tpu.memory_space<vmem>>[vector<16xi32>], vector<16xi32>, vector<16xi1>
        %add3A_159 = arith.addi %add3A_146, %all_reduce_population_count3A_108 : vector<16xi32>
        scf.yield %add3A_159 : vector<16xi32>
      }
      %scan3A_38 = arith.constant 128 : i32
      "tpu.region"() ({
        %run_scoped3A = tpu.sem_alloc : memref<!tpu.dma_semaphore, #tpu.memory_space<semaphore_mem>>
        %dma_start3A = arith.constant 0 : i32
        %dma_start3A_40 = tpu.memref_slice %arg6[%dma_start3A] : memref<8208xi32, #tpu.memory_space<vmem>> -> memref<128xi32, #tpu.memory_space<vmem>>
        %dma_start3A_41 = arith.constant 0 : i32
        %dma_start3A_42 = tpu.memref_slice %arg4[%add3A_14, %dma_start3A_41] : memref<1792x128xi32, #tpu.memory_space<hbm>> -> memref<1x128xi32, #tpu.memory_space<hbm>>
        %dma_start3A_43 = tpu.memref_squeeze %dma_start3A_42 : memref<1x128xi32, #tpu.memory_space<hbm>> -> memref<128xi32, #tpu.memory_space<hbm>>
        %dma_start3A_44 = arith.constant 0 : i32
        %dma_start3A_45 = tpu.memref_slice %arg4[%add3A_14, %dma_start3A_44] : memref<1792x128xi32, #tpu.memory_space<hbm>> -> memref<1x128xi32, #tpu.memory_space<hbm>>
        %dma_start3A_46 = tpu.memref_squeeze %dma_start3A_45 : memref<1x128xi32, #tpu.memory_space<hbm>> -> memref<128xi32, #tpu.memory_space<hbm>>
        %dma_start3A_47 = arith.constant 0 : i32
        %dma_start3A_48 = tpu.memref_slice %arg6[%dma_start3A_47] : memref<8208xi32, #tpu.memory_space<vmem>> -> memref<128xi32, #tpu.memory_space<vmem>>
        tpu.enqueue_dma source(%dma_start3A_48 : memref<128xi32, #tpu.memory_space<vmem>>) target(%dma_start3A_46 : memref<128xi32, #tpu.memory_space<hbm>>) target_semaphore(%run_scoped3A : memref<!tpu.dma_semaphore, #tpu.memory_space<semaphore_mem>>)
        %dma_wait3A = arith.constant 0 : i32
        %dma_wait3A_49 = tpu.memref_slice %arg6[%dma_wait3A] : memref<8208xi32, #tpu.memory_space<vmem>> -> memref<128xi32, #tpu.memory_space<vmem>>
        %dma_wait3A_50 = arith.constant 0 : i32
        %dma_wait3A_51 = tpu.memref_slice %arg4[%add3A_14, %dma_wait3A_50] : memref<1792x128xi32, #tpu.memory_space<hbm>> -> memref<1x128xi32, #tpu.memory_space<hbm>>
        %dma_wait3A_52 = tpu.memref_squeeze %dma_wait3A_51 : memref<1x128xi32, #tpu.memory_space<hbm>> -> memref<128xi32, #tpu.memory_space<hbm>>
        %dma_wait3A_53 = arith.constant 0 : i32
        %dma_wait3A_54 = tpu.memref_slice %arg4[%add3A_14, %dma_wait3A_53] : memref<1792x128xi32, #tpu.memory_space<hbm>> -> memref<1x128xi32, #tpu.memory_space<hbm>>
        %dma_wait3A_55 = tpu.memref_squeeze %dma_wait3A_54 : memref<1x128xi32, #tpu.memory_space<hbm>> -> memref<128xi32, #tpu.memory_space<hbm>>
        %dma_wait3A_56 = arith.constant 0 : i32
        %dma_wait3A_57 = tpu.memref_slice %arg6[%dma_wait3A_56] : memref<8208xi32, #tpu.memory_space<vmem>> -> memref<128xi32, #tpu.memory_space<vmem>>
        tpu.wait_dma2 semaphore(%run_scoped3A : memref<!tpu.dma_semaphore, #tpu.memory_space<semaphore_mem>>) src(%dma_wait3A_57 : memref<128xi32, #tpu.memory_space<vmem>>) dst(%dma_wait3A_55 : memref<128xi32, #tpu.memory_space<hbm>>)
        tpu.yield
      }) : () -> ()
      %scan3A_39 = arith.constant 0 : i32
      scf.yield %scan3A_39 : i32
    }
    %scan3A_11 = arith.constant 56 : i32
    return
  }
}

module attributes {stable_mosaic.version = 14 : i64} {
  func.func @_fps_body(%arg0: memref<64x128xf32, #tpu.memory_space<vmem>>, %arg1: memref<64x128xf32, #tpu.memory_space<vmem>>, %arg2: memref<64x128xf32, #tpu.memory_space<vmem>>, %arg3: memref<13x128xf32, #tpu.memory_space<vmem>>, %arg4: memref<13x128xf32, #tpu.memory_space<vmem>>, %arg5: memref<13x128xf32, #tpu.memory_space<vmem>>) attributes {dimension_semantics = [], scalar_prefetch = 0 : i64, scratch_operands = 0 : i64, tpu.core_type = #tpu.core_type<tc>} {
    %get3A = arith.constant 0 : index
    %get3A_0 = arith.constant 0 : index
    %get3A_1 = vector.load %arg0[%get3A, %get3A_0] : memref<64x128xf32, #tpu.memory_space<vmem>>, vector<64x128xf32>
    %get3A_2 = arith.constant 0 : index
    %get3A_3 = arith.constant 0 : index
    %get3A_4 = vector.load %arg1[%get3A_2, %get3A_3] : memref<64x128xf32, #tpu.memory_space<vmem>>, vector<64x128xf32>
    %get3A_5 = arith.constant 0 : index
    %get3A_6 = arith.constant 0 : index
    %get3A_7 = vector.load %arg2[%get3A_5, %get3A_6] : memref<64x128xf32, #tpu.memory_space<vmem>>, vector<64x128xf32>
    %iota3A = tpu.iota {dimensions = array<i32: 0>} : vector<64x128xi32>
    %mul3A = arith.constant 128 : i32
    %mul3A_8 = vector.broadcast %mul3A : i32 to vector<64x128xi32>
    %mul3A_9 = arith.muli %iota3A, %mul3A_8 : vector<64x128xi32>
    %iota3A_10 = tpu.iota {dimensions = array<i32: 1>} : vector<64x128xi32>
    %add3A = arith.addi %mul3A_9, %iota3A_10 : vector<64x128xi32>
    %iota3A_11 = tpu.iota {dimensions = array<i32: 0>} : vector<13x128xi32>
    %mul3A_12 = arith.constant 128 : i32
    %mul3A_13 = vector.broadcast %mul3A_12 : i32 to vector<13x128xi32>
    %mul3A_14 = arith.muli %iota3A_11, %mul3A_13 : vector<13x128xi32>
    %iota3A_15 = tpu.iota {dimensions = array<i32: 1>} : vector<13x128xi32>
    %add3A_16 = arith.addi %mul3A_14, %iota3A_15 : vector<13x128xi32>
    %lt3A = arith.constant 8192 : i32
    %lt3A_17 = vector.broadcast %lt3A : i32 to vector<64x128xi32>
    %lt3A_18 = arith.cmpi slt, %add3A, %lt3A_17 : vector<64x128xi32>
    %eq3A = arith.constant 0 : i32
    %eq3A_19 = vector.broadcast %eq3A : i32 to vector<64x128xi32>
    %eq3A_20 = arith.cmpi eq, %add3A, %eq3A_19 : vector<64x128xi32>
    %jit3A = arith.constant 0.000000e+00 : f32
    %broadcast_in_dim3A = vector.broadcast %jit3A : f32 to vector<64x128xf32>
    %select_n3A = arith.select %eq3A_20, %get3A_1, %broadcast_in_dim3A : vector<64x128xi1>, vector<64x128xf32>
    %reduce_sum3A = vector.shape_cast %select_n3A : vector<64x128xf32> to vector<1x64x128xf32>
    %reduce_sum3A_21 = arith.constant dense<0.000000e+00> : vector<1xf32>
    %reduce_sum3A_22 = vector.multi_reduction <add>, %reduce_sum3A, %reduce_sum3A_21 [1, 2] : vector<1x64x128xf32> to vector<1xf32>
    %reduce_sum3A_23 = vector.shape_cast %reduce_sum3A_22 : vector<1xf32> to vector<1x1x1xf32>
    %reduce_sum3A_24 = vector.extract %reduce_sum3A_23[0, 0, 0] : f32 from vector<1x1x1xf32>
    %eq3A_25 = arith.constant 0 : i32
    %eq3A_26 = vector.broadcast %eq3A_25 : i32 to vector<64x128xi32>
    %eq3A_27 = arith.cmpi eq, %add3A, %eq3A_26 : vector<64x128xi32>
    %jit3A_28 = arith.constant 0.000000e+00 : f32
    %broadcast_in_dim3A_29 = vector.broadcast %jit3A_28 : f32 to vector<64x128xf32>
    %select_n3A_30 = arith.select %eq3A_27, %get3A_4, %broadcast_in_dim3A_29 : vector<64x128xi1>, vector<64x128xf32>
    %reduce_sum3A_31 = vector.shape_cast %select_n3A_30 : vector<64x128xf32> to vector<1x64x128xf32>
    %reduce_sum3A_32 = arith.constant dense<0.000000e+00> : vector<1xf32>
    %reduce_sum3A_33 = vector.multi_reduction <add>, %reduce_sum3A_31, %reduce_sum3A_32 [1, 2] : vector<1x64x128xf32> to vector<1xf32>
    %reduce_sum3A_34 = vector.shape_cast %reduce_sum3A_33 : vector<1xf32> to vector<1x1x1xf32>
    %reduce_sum3A_35 = vector.extract %reduce_sum3A_34[0, 0, 0] : f32 from vector<1x1x1xf32>
    %eq3A_36 = arith.constant 0 : i32
    %eq3A_37 = vector.broadcast %eq3A_36 : i32 to vector<64x128xi32>
    %eq3A_38 = arith.cmpi eq, %add3A, %eq3A_37 : vector<64x128xi32>
    %jit3A_39 = arith.constant 0.000000e+00 : f32
    %broadcast_in_dim3A_40 = vector.broadcast %jit3A_39 : f32 to vector<64x128xf32>
    %select_n3A_41 = arith.select %eq3A_38, %get3A_7, %broadcast_in_dim3A_40 : vector<64x128xi1>, vector<64x128xf32>
    %reduce_sum3A_42 = vector.shape_cast %select_n3A_41 : vector<64x128xf32> to vector<1x64x128xf32>
    %reduce_sum3A_43 = arith.constant dense<0.000000e+00> : vector<1xf32>
    %reduce_sum3A_44 = vector.multi_reduction <add>, %reduce_sum3A_42, %reduce_sum3A_43 [1, 2] : vector<1x64x128xf32> to vector<1xf32>
    %reduce_sum3A_45 = vector.shape_cast %reduce_sum3A_44 : vector<1xf32> to vector<1x1x1xf32>
    %reduce_sum3A_46 = vector.extract %reduce_sum3A_45[0, 0, 0] : f32 from vector<1x1x1xf32>
    %sub3A = vector.broadcast %reduce_sum3A_24 : f32 to vector<64x128xf32>
    %sub3A_47 = arith.subf %get3A_1, %sub3A : vector<64x128xf32>
    %sub3A_48 = vector.broadcast %reduce_sum3A_35 : f32 to vector<64x128xf32>
    %sub3A_49 = arith.subf %get3A_4, %sub3A_48 : vector<64x128xf32>
    %sub3A_50 = vector.broadcast %reduce_sum3A_46 : f32 to vector<64x128xf32>
    %sub3A_51 = arith.subf %get3A_7, %sub3A_50 : vector<64x128xf32>
    %mul3A_52 = arith.mulf %sub3A_47, %sub3A_47 : vector<64x128xf32>
    %mul3A_53 = arith.mulf %sub3A_49, %sub3A_49 : vector<64x128xf32>
    %add3A_54 = arith.addf %mul3A_52, %mul3A_53 : vector<64x128xf32>
    %mul3A_55 = arith.mulf %sub3A_51, %sub3A_51 : vector<64x128xf32>
    %add3A_56 = arith.addf %add3A_54, %mul3A_55 : vector<64x128xf32>
    %jit3A_57 = arith.constant -1.000000e+00 : f32
    %broadcast_in_dim3A_58 = vector.broadcast %jit3A_57 : f32 to vector<64x128xf32>
    %select_n3A_59 = arith.select %lt3A_18, %add3A_56, %broadcast_in_dim3A_58 : vector<64x128xi1>, vector<64x128xf32>
    %eq3A_60 = arith.constant 0 : i32
    %eq3A_61 = vector.broadcast %eq3A_60 : i32 to vector<13x128xi32>
    %eq3A_62 = arith.cmpi eq, %add3A_16, %eq3A_61 : vector<13x128xi32>
    %jit3A_63 = arith.constant 0.000000e+00 : f32
    %broadcast_in_dim3A_64 = vector.broadcast %reduce_sum3A_24 : f32 to vector<13x128xf32>
    %broadcast_in_dim3A_65 = vector.broadcast %jit3A_63 : f32 to vector<13x128xf32>
    %select_n3A_66 = arith.select %eq3A_62, %broadcast_in_dim3A_64, %broadcast_in_dim3A_65 : vector<13x128xi1>, vector<13x128xf32>
    %swap3A = arith.constant 0 : index
    %swap3A_67 = arith.constant 0 : index
    %swap3A_68 = vector.load %arg3[%swap3A, %swap3A_67] : memref<13x128xf32, #tpu.memory_space<vmem>>, vector<13x128xf32>
    tpu.vector_store %arg3[%swap3A, %swap3A_67], %select_n3A_66 {strides = array<i32>} : memref<13x128xf32, #tpu.memory_space<vmem>>, vector<13x128xf32>,
    %eq3A_69 = arith.constant 0 : i32
    %eq3A_70 = vector.broadcast %eq3A_69 : i32 to vector<13x128xi32>
    %eq3A_71 = arith.cmpi eq, %add3A_16, %eq3A_70 : vector<13x128xi32>
    %jit3A_72 = arith.constant 0.000000e+00 : f32
    %broadcast_in_dim3A_73 = vector.broadcast %reduce_sum3A_35 : f32 to vector<13x128xf32>
    %broadcast_in_dim3A_74 = vector.broadcast %jit3A_72 : f32 to vector<13x128xf32>
    %select_n3A_75 = arith.select %eq3A_71, %broadcast_in_dim3A_73, %broadcast_in_dim3A_74 : vector<13x128xi1>, vector<13x128xf32>
    %swap3A_76 = arith.constant 0 : index
    %swap3A_77 = arith.constant 0 : index
    %swap3A_78 = vector.load %arg4[%swap3A_76, %swap3A_77] : memref<13x128xf32, #tpu.memory_space<vmem>>, vector<13x128xf32>
    tpu.vector_store %arg4[%swap3A_76, %swap3A_77], %select_n3A_75 {strides = array<i32>} : memref<13x128xf32, #tpu.memory_space<vmem>>, vector<13x128xf32>,
    %eq3A_79 = arith.constant 0 : i32
    %eq3A_80 = vector.broadcast %eq3A_79 : i32 to vector<13x128xi32>
    %eq3A_81 = arith.cmpi eq, %add3A_16, %eq3A_80 : vector<13x128xi32>
    %jit3A_82 = arith.constant 0.000000e+00 : f32
    %broadcast_in_dim3A_83 = vector.broadcast %reduce_sum3A_46 : f32 to vector<13x128xf32>
    %broadcast_in_dim3A_84 = vector.broadcast %jit3A_82 : f32 to vector<13x128xf32>
    %select_n3A_85 = arith.select %eq3A_81, %broadcast_in_dim3A_83, %broadcast_in_dim3A_84 : vector<13x128xi1>, vector<13x128xf32>
    %swap3A_86 = arith.constant 0 : index
    %swap3A_87 = arith.constant 0 : index
    %swap3A_88 = vector.load %arg5[%swap3A_86, %swap3A_87] : memref<13x128xf32, #tpu.memory_space<vmem>>, vector<13x128xf32>
    tpu.vector_store %arg5[%swap3A_86, %swap3A_87], %select_n3A_85 {strides = array<i32>} : memref<13x128xf32, #tpu.memory_space<vmem>>, vector<13x128xf32>,
    %scan3A = arith.constant 1 : i32
    %scan3A_89 = arith.constant 1637 : i32
    %scan3A_90 = arith.addi %scan3A, %scan3A_89 : i32
    %scan3A_91 = arith.constant 1 : i32
    %scan3A_92 = scf.for %scan3A_94 = %scan3A to %scan3A_90 step %scan3A_91 iter_args(%scan3A_95 = %select_n3A_59) -> (vector<64x128xf32>)  : i32 {
      %reduce_max3A = vector.shape_cast %scan3A_95 : vector<64x128xf32> to vector<1x64x128xf32>
      %reduce_max3A_96 = arith.constant dense<0xFF800000> : vector<1xf32>
      %reduce_max3A_97 = vector.multi_reduction <maximumf>, %reduce_max3A, %reduce_max3A_96 [1, 2] : vector<1x64x128xf32> to vector<1xf32>
      %reduce_max3A_98 = vector.shape_cast %reduce_max3A_97 : vector<1xf32> to vector<1x1x1xf32>
      %reduce_max3A_99 = vector.extract %reduce_max3A_98[0, 0, 0] : f32 from vector<1x1x1xf32>
      %eq3A_100 = vector.broadcast %reduce_max3A_99 : f32 to vector<64x128xf32>
      %eq3A_101 = arith.cmpf oeq, %scan3A_95, %eq3A_100 : vector<64x128xf32>
      %jit3A_102 = arith.constant 2147483647 : i32
      %broadcast_in_dim3A_103 = vector.broadcast %jit3A_102 : i32 to vector<64x128xi32>
      %select_n3A_104 = arith.select %eq3A_101, %add3A, %broadcast_in_dim3A_103 : vector<64x128xi1>, vector<64x128xi32>
      %reduce_min3A = vector.shape_cast %select_n3A_104 : vector<64x128xi32> to vector<1x64x128xi32>
      %reduce_min3A_105 = arith.constant dense<2147483647> : vector<1xi32>
      %reduce_min3A_106 = vector.multi_reduction <minsi>, %reduce_min3A, %reduce_min3A_105 [1, 2] : vector<1x64x128xi32> to vector<1xi32>
      %reduce_min3A_107 = vector.shape_cast %reduce_min3A_106 : vector<1xi32> to vector<1x1x1xi32>
      %reduce_min3A_108 = vector.extract %reduce_min3A_107[0, 0, 0] : i32 from vector<1x1x1xi32>
      %eq3A_109 = vector.broadcast %reduce_min3A_108 : i32 to vector<64x128xi32>
      %eq3A_110 = arith.cmpi eq, %add3A, %eq3A_109 : vector<64x128xi32>
      %jit3A_111 = arith.constant 0.000000e+00 : f32
      %broadcast_in_dim3A_112 = vector.broadcast %jit3A_111 : f32 to vector<64x128xf32>
      %select_n3A_113 = arith.select %eq3A_110, %get3A_1, %broadcast_in_dim3A_112 : vector<64x128xi1>, vector<64x128xf32>
      %reduce_sum3A_114 = vector.shape_cast %select_n3A_113 : vector<64x128xf32> to vector<1x64x128xf32>
      %reduce_sum3A_115 = arith.constant dense<0.000000e+00> : vector<1xf32>
      %reduce_sum3A_116 = vector.multi_reduction <add>, %reduce_sum3A_114, %reduce_sum3A_115 [1, 2] : vector<1x64x128xf32> to vector<1xf32>
      %reduce_sum3A_117 = vector.shape_cast %reduce_sum3A_116 : vector<1xf32> to vector<1x1x1xf32>
      %reduce_sum3A_118 = vector.extract %reduce_sum3A_117[0, 0, 0] : f32 from vector<1x1x1xf32>
      %jit3A_119 = arith.constant 0.000000e+00 : f32
      %broadcast_in_dim3A_120 = vector.broadcast %jit3A_119 : f32 to vector<64x128xf32>
      %select_n3A_121 = arith.select %eq3A_110, %get3A_4, %broadcast_in_dim3A_120 : vector<64x128xi1>, vector<64x128xf32>
      %reduce_sum3A_122 = vector.shape_cast %select_n3A_121 : vector<64x128xf32> to vector<1x64x128xf32>
      %reduce_sum3A_123 = arith.constant dense<0.000000e+00> : vector<1xf32>
      %reduce_sum3A_124 = vector.multi_reduction <add>, %reduce_sum3A_122, %reduce_sum3A_123 [1, 2] : vector<1x64x128xf32> to vector<1xf32>
      %reduce_sum3A_125 = vector.shape_cast %reduce_sum3A_124 : vector<1xf32> to vector<1x1x1xf32>
      %reduce_sum3A_126 = vector.extract %reduce_sum3A_125[0, 0, 0] : f32 from vector<1x1x1xf32>
      %jit3A_127 = arith.constant 0.000000e+00 : f32
      %broadcast_in_dim3A_128 = vector.broadcast %jit3A_127 : f32 to vector<64x128xf32>
      %select_n3A_129 = arith.select %eq3A_110, %get3A_7, %broadcast_in_dim3A_128 : vector<64x128xi1>, vector<64x128xf32>
      %reduce_sum3A_130 = vector.shape_cast %select_n3A_129 : vector<64x128xf32> to vector<1x64x128xf32>
      %reduce_sum3A_131 = arith.constant dense<0.000000e+00> : vector<1xf32>
      %reduce_sum3A_132 = vector.multi_reduction <add>, %reduce_sum3A_130, %reduce_sum3A_131 [1, 2] : vector<1x64x128xf32> to vector<1xf32>
      %reduce_sum3A_133 = vector.shape_cast %reduce_sum3A_132 : vector<1xf32> to vector<1x1x1xf32>
      %reduce_sum3A_134 = vector.extract %reduce_sum3A_133[0, 0, 0] : f32 from vector<1x1x1xf32>
      %sub3A_135 = vector.broadcast %reduce_sum3A_118 : f32 to vector<64x128xf32>
      %sub3A_136 = arith.subf %get3A_1, %sub3A_135 : vector<64x128xf32>
      %sub3A_137 = vector.broadcast %reduce_sum3A_126 : f32 to vector<64x128xf32>
      %sub3A_138 = arith.subf %get3A_4, %sub3A_137 : vector<64x128xf32>
      %sub3A_139 = vector.broadcast %reduce_sum3A_134 : f32 to vector<64x128xf32>
      %sub3A_140 = arith.subf %get3A_7, %sub3A_139 : vector<64x128xf32>
      %mul3A_141 = arith.mulf %sub3A_136, %sub3A_136 : vector<64x128xf32>
      %mul3A_142 = arith.mulf %sub3A_138, %sub3A_138 : vector<64x128xf32>
      %add3A_143 = arith.addf %mul3A_141, %mul3A_142 : vector<64x128xf32>
      %mul3A_144 = arith.mulf %sub3A_140, %sub3A_140 : vector<64x128xf32>
      %add3A_145 = arith.addf %add3A_143, %mul3A_144 : vector<64x128xf32>
      %eq3A_146 = vector.broadcast %scan3A_94 : i32 to vector<13x128xi32>
      %eq3A_147 = arith.cmpi eq, %add3A_16, %eq3A_146 : vector<13x128xi32>
      %get3A_148 = arith.constant 0 : index
      %get3A_149 = arith.constant 0 : index
      %get3A_150 = vector.load %arg3[%get3A_148, %get3A_149] : memref<13x128xf32, #tpu.memory_space<vmem>>, vector<13x128xf32>
      %broadcast_in_dim3A_151 = vector.broadcast %reduce_sum3A_118 : f32 to vector<13x128xf32>
      %select_n3A_152 = arith.select %eq3A_147, %broadcast_in_dim3A_151, %get3A_150 : vector<13x128xi1>, vector<13x128xf32>
      %swap3A_153 = arith.constant 0 : index
      %swap3A_154 = arith.constant 0 : index
      %swap3A_155 = vector.load %arg3[%swap3A_153, %swap3A_154] : memref<13x128xf32, #tpu.memory_space<vmem>>, vector<13x128xf32>
      tpu.vector_store %arg3[%swap3A_153, %swap3A_154], %select_n3A_152 {strides = array<i32>} : memref<13x128xf32, #tpu.memory_space<vmem>>, vector<13x128xf32>,
      %get3A_156 = arith.constant 0 : index
      %get3A_157 = arith.constant 0 : index
      %get3A_158 = vector.load %arg4[%get3A_156, %get3A_157] : memref<13x128xf32, #tpu.memory_space<vmem>>, vector<13x128xf32>
      %broadcast_in_dim3A_159 = vector.broadcast %reduce_sum3A_126 : f32 to vector<13x128xf32>
      %select_n3A_160 = arith.select %eq3A_147, %broadcast_in_dim3A_159, %get3A_158 : vector<13x128xi1>, vector<13x128xf32>
      %swap3A_161 = arith.constant 0 : index
      %swap3A_162 = arith.constant 0 : index
      %swap3A_163 = vector.load %arg4[%swap3A_161, %swap3A_162] : memref<13x128xf32, #tpu.memory_space<vmem>>, vector<13x128xf32>
      tpu.vector_store %arg4[%swap3A_161, %swap3A_162], %select_n3A_160 {strides = array<i32>} : memref<13x128xf32, #tpu.memory_space<vmem>>, vector<13x128xf32>,
      %get3A_164 = arith.constant 0 : index
      %get3A_165 = arith.constant 0 : index
      %get3A_166 = vector.load %arg5[%get3A_164, %get3A_165] : memref<13x128xf32, #tpu.memory_space<vmem>>, vector<13x128xf32>
      %broadcast_in_dim3A_167 = vector.broadcast %reduce_sum3A_134 : f32 to vector<13x128xf32>
      %select_n3A_168 = arith.select %eq3A_147, %broadcast_in_dim3A_167, %get3A_166 : vector<13x128xi1>, vector<13x128xf32>
      %swap3A_169 = arith.constant 0 : index
      %swap3A_170 = arith.constant 0 : index
      %swap3A_171 = vector.load %arg5[%swap3A_169, %swap3A_170] : memref<13x128xf32, #tpu.memory_space<vmem>>, vector<13x128xf32>
      tpu.vector_store %arg5[%swap3A_169, %swap3A_170], %select_n3A_168 {strides = array<i32>} : memref<13x128xf32, #tpu.memory_space<vmem>>, vector<13x128xf32>,
      %min3A = arith.minimumf %scan3A_95, %add3A_145 : vector<64x128xf32>
      scf.yield %min3A : vector<64x128xf32>
    }
    %scan3A_93 = arith.constant 1637 : i32
    return
  }
}

module attributes {stable_mosaic.version = 14 : i64} {
  func.func @_rsearch_body(%arg0: i32, %arg1: memref<256x3xf32, #tpu.memory_space<vmem>>, %arg2: memref<1x8192xf32, #tpu.memory_space<vmem>>, %arg3: memref<1x8192xf32, #tpu.memory_space<vmem>>, %arg4: memref<1x8192xf32, #tpu.memory_space<vmem>>, %arg5: memref<256x8192xf32, #tpu.memory_space<vmem>>, %arg6: memref<256x1xf32, #tpu.memory_space<vmem>>, %arg7: memref<256x1xi32, #tpu.memory_space<vmem>>) attributes {dimension_semantics = [#tpu.dimension_semantics<arbitrary>], iteration_bounds = array<i64: 7>, scalar_prefetch = 0 : i64, scratch_operands = 0 : i64, tpu.core_type = #tpu.core_type<tc>, window_params = [{transform_indices = @transform_0, window_bounds = array<i64: 256, 3>}, {pipeline_mode = #tpu.pipeline_mode<synchronous>, transform_indices = @transform_1, window_bounds = array<i64: 1, 8192>}, {pipeline_mode = #tpu.pipeline_mode<synchronous>, transform_indices = @transform_2, window_bounds = array<i64: 1, 8192>}, {pipeline_mode = #tpu.pipeline_mode<synchronous>, transform_indices = @transform_3, window_bounds = array<i64: 1, 8192>}, {transform_indices = @transform_4, window_bounds = array<i64: 256, 8192>}, {transform_indices = @transform_5, window_bounds = array<i64: 256, 1>}, {transform_indices = @transform_6, window_bounds = array<i64: 256, 1>}]} {
    %get3A = arith.constant 0 : index
    %get3A_0 = arith.constant 0 : index
    %get3A_1 = vector.load %arg1[%get3A, %get3A_0] : memref<256x3xf32, #tpu.memory_space<vmem>>, vector<256x1xf32>
    %get3A_2 = arith.constant 0 : index
    %get3A_3 = arith.constant 1 : index
    %get3A_4 = vector.load %arg1[%get3A_2, %get3A_3] : memref<256x3xf32, #tpu.memory_space<vmem>>, vector<256x1xf32>
    %get3A_5 = arith.constant 0 : index
    %get3A_6 = arith.constant 2 : index
    %get3A_7 = vector.load %arg1[%get3A_5, %get3A_6] : memref<256x3xf32, #tpu.memory_space<vmem>>, vector<256x1xf32>
    %get3A_8 = arith.constant 0 : index
    %get3A_9 = arith.constant 0 : index
    %get3A_10 = vector.load %arg2[%get3A_8, %get3A_9] : memref<1x8192xf32, #tpu.memory_space<vmem>>, vector<1x8192xf32>
    %sub3A = vector.broadcast %get3A_1 : vector<256x1xf32> to vector<256x8192xf32>
    %sub3A_11 = vector.broadcast %get3A_10 : vector<1x8192xf32> to vector<256x8192xf32>
    %sub3A_12 = arith.subf %sub3A, %sub3A_11 : vector<256x8192xf32>
    %get3A_13 = arith.constant 0 : index
    %get3A_14 = arith.constant 0 : index
    %get3A_15 = vector.load %arg3[%get3A_13, %get3A_14] : memref<1x8192xf32, #tpu.memory_space<vmem>>, vector<1x8192xf32>
    %sub3A_16 = vector.broadcast %get3A_4 : vector<256x1xf32> to vector<256x8192xf32>
    %sub3A_17 = vector.broadcast %get3A_15 : vector<1x8192xf32> to vector<256x8192xf32>
    %sub3A_18 = arith.subf %sub3A_16, %sub3A_17 : vector<256x8192xf32>
    %get3A_19 = arith.constant 0 : index
    %get3A_20 = arith.constant 0 : index
    %get3A_21 = vector.load %arg4[%get3A_19, %get3A_20] : memref<1x8192xf32, #tpu.memory_space<vmem>>, vector<1x8192xf32>
    %sub3A_22 = vector.broadcast %get3A_7 : vector<256x1xf32> to vector<256x8192xf32>
    %sub3A_23 = vector.broadcast %get3A_21 : vector<1x8192xf32> to vector<256x8192xf32>
    %sub3A_24 = arith.subf %sub3A_22, %sub3A_23 : vector<256x8192xf32>
    %mul3A = arith.mulf %sub3A_12, %sub3A_12 : vector<256x8192xf32>
    %mul3A_25 = arith.mulf %sub3A_18, %sub3A_18 : vector<256x8192xf32>
    %add3A = arith.addf %mul3A, %mul3A_25 : vector<256x8192xf32>
    %mul3A_26 = arith.mulf %sub3A_24, %sub3A_24 : vector<256x8192xf32>
    %add3A_27 = arith.addf %add3A, %mul3A_26 : vector<256x8192xf32>
    %iota3A = tpu.iota {dimensions = array<i32: 1>} : vector<256x8192xi32>
    %lt3A = arith.constant 8192 : i32
    %lt3A_28 = vector.broadcast %lt3A : i32 to vector<256x8192xi32>
    %lt3A_29 = arith.cmpi slt, %iota3A, %lt3A_28 : vector<256x8192xi32>
    %le3A = arith.constant 4.000000e-02 : f32
    %le3A_30 = vector.broadcast %le3A : f32 to vector<256x8192xf32>
    %le3A_31 = arith.cmpf ole, %add3A_27, %le3A_30 : vector<256x8192xf32>
    %and3A = arith.andi %lt3A_29, %le3A_31 : vector<256x8192xi1>
    %jit3A = arith.constant 0x7F800000 : f32
    %broadcast_in_dim3A = vector.broadcast %jit3A : f32 to vector<256x8192xf32>
    %select_n3A = arith.select %and3A, %add3A_27, %broadcast_in_dim3A : vector<256x8192xi1>, vector<256x8192xf32>
    %swap3A = arith.constant 0 : index
    %swap3A_32 = arith.constant 0 : index
    %swap3A_33 = vector.load %arg5[%swap3A, %swap3A_32] : memref<256x8192xf32, #tpu.memory_space<vmem>>, vector<256x8192xf32>
    tpu.vector_store %arg5[%swap3A, %swap3A_32], %select_n3A {strides = array<i32>} : memref<256x8192xf32, #tpu.memory_space<vmem>>, vector<256x8192xf32>,
    %bitcast_convert_type3A = tpu.bitcast %select_n3A : vector<256x8192xf32> -> vector<256x8192xi32>
    %lt3A_34 = arith.constant 2139095040 : i32
    %lt3A_35 = vector.broadcast %lt3A_34 : i32 to vector<256x8192xi32>
    %lt3A_36 = arith.cmpi slt, %bitcast_convert_type3A, %lt3A_35 : vector<256x8192xi32>
    %convert_element_type3A = arith.extui %lt3A_36 : vector<256x8192xi1> to vector<256x8192xi32>
    %reduce_sum3A = arith.constant dense<0> : vector<256xi32>
    %reduce_sum3A_37 = vector.multi_reduction <add>, %convert_element_type3A, %reduce_sum3A [1] : vector<256x8192xi32> to vector<256xi32>
    %broadcast_in_dim3A_38 = vector.shape_cast %reduce_sum3A_37 : vector<256xi32> to vector<256x1xi32>
    %min3A = arith.constant 64 : i32
    %min3A_39 = vector.broadcast %min3A : i32 to vector<256x1xi32>
    %min3A_40 = arith.minsi %broadcast_in_dim3A_38, %min3A_39 : vector<256x1xi32>
    %swap3A_41 = arith.constant 0 : index
    %swap3A_42 = arith.constant 0 : index
    %swap3A_43 = vector.load %arg7[%swap3A_41, %swap3A_42] : memref<256x1xi32, #tpu.memory_space<vmem>>, vector<256x1xi32>
    tpu.vector_store %arg7[%swap3A_41, %swap3A_42], %min3A_40 {strides = array<i32>} : memref<256x1xi32, #tpu.memory_space<vmem>>, vector<256x1xi32>,
    %broadcast_in_dim3A_44 = arith.constant 0 : i32
    %broadcast_in_dim3A_45 = vector.broadcast %broadcast_in_dim3A_44 : i32 to vector<256x1xi32>
    %broadcast_in_dim3A_46 = arith.constant 2139095040 : i32
    %broadcast_in_dim3A_47 = vector.broadcast %broadcast_in_dim3A_46 : i32 to vector<256x1xi32>
    %scan3A = arith.constant 0 : i32
    %scan3A_48 = arith.constant 31 : i32
    %scan3A_49 = arith.addi %scan3A, %scan3A_48 : i32
    %scan3A_50 = arith.constant 1 : i32
    %scan3A_51:2 = scf.for %scan3A_61 = %scan3A to %scan3A_49 step %scan3A_50 iter_args(%scan3A_62 = %broadcast_in_dim3A_45, %scan3A_63 = %broadcast_in_dim3A_47) -> (vector<256x1xi32>, vector<256x1xi32>)  : i32 {
      %sub3A_64 = arith.subi %scan3A_63, %scan3A_62 : vector<256x1xi32>
      %shift_right_arithmetic3A = arith.constant 1 : i32
      %shift_right_arithmetic3A_65 = vector.broadcast %shift_right_arithmetic3A : i32 to vector<256x1xi32>
      %shift_right_arithmetic3A_66 = arith.shrsi %sub3A_64, %shift_right_arithmetic3A_65 : vector<256x1xi32>
      %add3A_67 = arith.addi %scan3A_62, %shift_right_arithmetic3A_66 : vector<256x1xi32>
      %le3A_68 = vector.broadcast %add3A_67 : vector<256x1xi32> to vector<256x8192xi32>
      %le3A_69 = arith.cmpi sle, %bitcast_convert_type3A, %le3A_68 : vector<256x8192xi32>
      %convert_element_type3A_70 = arith.extui %le3A_69 : vector<256x8192xi1> to vector<256x8192xi32>
      %reduce_sum3A_71 = arith.constant dense<0> : vector<256xi32>
      %reduce_sum3A_72 = vector.multi_reduction <add>, %convert_element_type3A_70, %reduce_sum3A_71 [1] : vector<256x8192xi32> to vector<256xi32>
      %broadcast_in_dim3A_73 = vector.shape_cast %reduce_sum3A_72 : vector<256xi32> to vector<256x1xi32>
      %lt3A_74 = arith.constant 64 : i32
      %lt3A_75 = vector.broadcast %lt3A_74 : i32 to vector<256x1xi32>
      %lt3A_76 = arith.cmpi slt, %broadcast_in_dim3A_73, %lt3A_75 : vector<256x1xi32>
      %add3A_77 = arith.constant 1 : i32
      %add3A_78 = vector.broadcast %add3A_77 : i32 to vector<256x1xi32>
      %add3A_79 = arith.addi %add3A_67, %add3A_78 : vector<256x1xi32>
      %select_n3A_80 = arith.select %lt3A_76, %add3A_79, %scan3A_62 : vector<256x1xi1>, vector<256x1xi32>
      %select_n3A_81 = arith.select %lt3A_76, %scan3A_63, %add3A_67 : vector<256x1xi1>, vector<256x1xi32>
      scf.yield %select_n3A_80, %select_n3A_81 : vector<256x1xi32>, vector<256x1xi32>
    }
    %eq3A = arith.constant 2139095040 : i32
    %eq3A_52 = vector.broadcast %eq3A : i32 to vector<256x1xi32>
    %eq3A_53 = arith.cmpi eq, %scan3A_51#1, %eq3A_52 : vector<256x1xi32>
    %jit3A_54 = arith.constant 2139095039 : i32
    %broadcast_in_dim3A_55 = vector.broadcast %jit3A_54 : i32 to vector<256x1xi32>
    %select_n3A_56 = arith.select %eq3A_53, %broadcast_in_dim3A_55, %scan3A_51#1 : vector<256x1xi1>, vector<256x1xi32>
    %bitcast_convert_type3A_57 = tpu.bitcast %select_n3A_56 : vector<256x1xi32> -> vector<256x1xf32>
    %swap3A_58 = arith.constant 0 : index
    %swap3A_59 = arith.constant 0 : index
    %swap3A_60 = vector.load %arg6[%swap3A_58, %swap3A_59] : memref<256x1xf32, #tpu.memory_space<vmem>>, vector<256x1xf32>
    tpu.vector_store %arg6[%swap3A_58, %swap3A_59], %bitcast_convert_type3A_57 {strides = array<i32>} : memref<256x1xf32, #tpu.memory_space<vmem>>, vector<256x1xf32>,
    return
  }
  func.func @transform_0(%arg0: i32) -> (i32, i32) {
    %c0_i32 = arith.constant 0 : i32
    %c0_i32_0 = arith.constant 0 : i32
    return %arg0, %c0_i32 : i32, i32
  }
  func.func @transform_1(%arg0: i32) -> (i32, i32) {
    %c0_i32 = arith.constant 0 : i32
    %c0_i32_0 = arith.constant 0 : i32
    %c0_i32_1 = arith.constant 0 : i32
    return %c0_i32, %c0_i32_0 : i32, i32
  }
  func.func @transform_2(%arg0: i32) -> (i32, i32) {
    %c0_i32 = arith.constant 0 : i32
    %c0_i32_0 = arith.constant 0 : i32
    %c0_i32_1 = arith.constant 0 : i32
    return %c0_i32, %c0_i32_0 : i32, i32
  }
  func.func @transform_3(%arg0: i32) -> (i32, i32) {
    %c0_i32 = arith.constant 0 : i32
    %c0_i32_0 = arith.constant 0 : i32
    %c0_i32_1 = arith.constant 0 : i32
    return %c0_i32, %c0_i32_0 : i32, i32
  }
  func.func @transform_4(%arg0: i32) -> (i32, i32) {
    %c0_i32 = arith.constant 0 : i32
    %c0_i32_0 = arith.constant 0 : i32
    return %arg0, %c0_i32 : i32, i32
  }
  func.func @transform_5(%arg0: i32) -> (i32, i32) {
    %c0_i32 = arith.constant 0 : i32
    %c0_i32_0 = arith.constant 0 : i32
    return %arg0, %c0_i32 : i32, i32
  }
  func.func @transform_6(%arg0: i32) -> (i32, i32) {
    %c0_i32 = arith.constant 0 : i32
    %c0_i32_0 = arith.constant 0 : i32
    return %arg0, %c0_i32 : i32, i32
  }
}

module attributes {stable_mosaic.version = 14 : i64} {
  func.func @_fps_body(%arg0: memref<13x128xf32, #tpu.memory_space<vmem>>, %arg1: memref<13x128xf32, #tpu.memory_space<vmem>>, %arg2: memref<13x128xf32, #tpu.memory_space<vmem>>, %arg3: memref<4x128xf32, #tpu.memory_space<vmem>>, %arg4: memref<4x128xf32, #tpu.memory_space<vmem>>, %arg5: memref<4x128xf32, #tpu.memory_space<vmem>>) attributes {dimension_semantics = [], scalar_prefetch = 0 : i64, scratch_operands = 0 : i64, tpu.core_type = #tpu.core_type<tc>} {
    %get3A = arith.constant 0 : index
    %get3A_0 = arith.constant 0 : index
    %get3A_1 = vector.load %arg0[%get3A, %get3A_0] : memref<13x128xf32, #tpu.memory_space<vmem>>, vector<13x128xf32>
    %get3A_2 = arith.constant 0 : index
    %get3A_3 = arith.constant 0 : index
    %get3A_4 = vector.load %arg1[%get3A_2, %get3A_3] : memref<13x128xf32, #tpu.memory_space<vmem>>, vector<13x128xf32>
    %get3A_5 = arith.constant 0 : index
    %get3A_6 = arith.constant 0 : index
    %get3A_7 = vector.load %arg2[%get3A_5, %get3A_6] : memref<13x128xf32, #tpu.memory_space<vmem>>, vector<13x128xf32>
    %iota3A = tpu.iota {dimensions = array<i32: 0>} : vector<13x128xi32>
    %mul3A = arith.constant 128 : i32
    %mul3A_8 = vector.broadcast %mul3A : i32 to vector<13x128xi32>
    %mul3A_9 = arith.muli %iota3A, %mul3A_8 : vector<13x128xi32>
    %iota3A_10 = tpu.iota {dimensions = array<i32: 1>} : vector<13x128xi32>
    %add3A = arith.addi %mul3A_9, %iota3A_10 : vector<13x128xi32>
    %iota3A_11 = tpu.iota {dimensions = array<i32: 0>} : vector<4x128xi32>
    %mul3A_12 = arith.constant 128 : i32
    %mul3A_13 = vector.broadcast %mul3A_12 : i32 to vector<4x128xi32>
    %mul3A_14 = arith.muli %iota3A_11, %mul3A_13 : vector<4x128xi32>
    %iota3A_15 = tpu.iota {dimensions = array<i32: 1>} : vector<4x128xi32>
    %add3A_16 = arith.addi %mul3A_14, %iota3A_15 : vector<4x128xi32>
    %lt3A = arith.constant 1638 : i32
    %lt3A_17 = vector.broadcast %lt3A : i32 to vector<13x128xi32>
    %lt3A_18 = arith.cmpi slt, %add3A, %lt3A_17 : vector<13x128xi32>
    %eq3A = arith.constant 0 : i32
    %eq3A_19 = vector.broadcast %eq3A : i32 to vector<13x128xi32>
    %eq3A_20 = arith.cmpi eq, %add3A, %eq3A_19 : vector<13x128xi32>
    %jit3A = arith.constant 0.000000e+00 : f32
    %broadcast_in_dim3A = vector.broadcast %jit3A : f32 to vector<13x128xf32>
    %select_n3A = arith.select %eq3A_20, %get3A_1, %broadcast_in_dim3A : vector<13x128xi1>, vector<13x128xf32>
    %reduce_sum3A = vector.shape_cast %select_n3A : vector<13x128xf32> to vector<1x13x128xf32>
    %reduce_sum3A_21 = arith.constant dense<0.000000e+00> : vector<1xf32>
    %reduce_sum3A_22 = vector.multi_reduction <add>, %reduce_sum3A, %reduce_sum3A_21 [1, 2] : vector<1x13x128xf32> to vector<1xf32>
    %reduce_sum3A_23 = vector.shape_cast %reduce_sum3A_22 : vector<1xf32> to vector<1x1x1xf32>
    %reduce_sum3A_24 = vector.extract %reduce_sum3A_23[0, 0, 0] : f32 from vector<1x1x1xf32>
    %eq3A_25 = arith.constant 0 : i32
    %eq3A_26 = vector.broadcast %eq3A_25 : i32 to vector<13x128xi32>
    %eq3A_27 = arith.cmpi eq, %add3A, %eq3A_26 : vector<13x128xi32>
    %jit3A_28 = arith.constant 0.000000e+00 : f32
    %broadcast_in_dim3A_29 = vector.broadcast %jit3A_28 : f32 to vector<13x128xf32>
    %select_n3A_30 = arith.select %eq3A_27, %get3A_4, %broadcast_in_dim3A_29 : vector<13x128xi1>, vector<13x128xf32>
    %reduce_sum3A_31 = vector.shape_cast %select_n3A_30 : vector<13x128xf32> to vector<1x13x128xf32>
    %reduce_sum3A_32 = arith.constant dense<0.000000e+00> : vector<1xf32>
    %reduce_sum3A_33 = vector.multi_reduction <add>, %reduce_sum3A_31, %reduce_sum3A_32 [1, 2] : vector<1x13x128xf32> to vector<1xf32>
    %reduce_sum3A_34 = vector.shape_cast %reduce_sum3A_33 : vector<1xf32> to vector<1x1x1xf32>
    %reduce_sum3A_35 = vector.extract %reduce_sum3A_34[0, 0, 0] : f32 from vector<1x1x1xf32>
    %eq3A_36 = arith.constant 0 : i32
    %eq3A_37 = vector.broadcast %eq3A_36 : i32 to vector<13x128xi32>
    %eq3A_38 = arith.cmpi eq, %add3A, %eq3A_37 : vector<13x128xi32>
    %jit3A_39 = arith.constant 0.000000e+00 : f32
    %broadcast_in_dim3A_40 = vector.broadcast %jit3A_39 : f32 to vector<13x128xf32>
    %select_n3A_41 = arith.select %eq3A_38, %get3A_7, %broadcast_in_dim3A_40 : vector<13x128xi1>, vector<13x128xf32>
    %reduce_sum3A_42 = vector.shape_cast %select_n3A_41 : vector<13x128xf32> to vector<1x13x128xf32>
    %reduce_sum3A_43 = arith.constant dense<0.000000e+00> : vector<1xf32>
    %reduce_sum3A_44 = vector.multi_reduction <add>, %reduce_sum3A_42, %reduce_sum3A_43 [1, 2] : vector<1x13x128xf32> to vector<1xf32>
    %reduce_sum3A_45 = vector.shape_cast %reduce_sum3A_44 : vector<1xf32> to vector<1x1x1xf32>
    %reduce_sum3A_46 = vector.extract %reduce_sum3A_45[0, 0, 0] : f32 from vector<1x1x1xf32>
    %sub3A = vector.broadcast %reduce_sum3A_24 : f32 to vector<13x128xf32>
    %sub3A_47 = arith.subf %get3A_1, %sub3A : vector<13x128xf32>
    %sub3A_48 = vector.broadcast %reduce_sum3A_35 : f32 to vector<13x128xf32>
    %sub3A_49 = arith.subf %get3A_4, %sub3A_48 : vector<13x128xf32>
    %sub3A_50 = vector.broadcast %reduce_sum3A_46 : f32 to vector<13x128xf32>
    %sub3A_51 = arith.subf %get3A_7, %sub3A_50 : vector<13x128xf32>
    %mul3A_52 = arith.mulf %sub3A_47, %sub3A_47 : vector<13x128xf32>
    %mul3A_53 = arith.mulf %sub3A_49, %sub3A_49 : vector<13x128xf32>
    %add3A_54 = arith.addf %mul3A_52, %mul3A_53 : vector<13x128xf32>
    %mul3A_55 = arith.mulf %sub3A_51, %sub3A_51 : vector<13x128xf32>
    %add3A_56 = arith.addf %add3A_54, %mul3A_55 : vector<13x128xf32>
    %jit3A_57 = arith.constant -1.000000e+00 : f32
    %broadcast_in_dim3A_58 = vector.broadcast %jit3A_57 : f32 to vector<13x128xf32>
    %select_n3A_59 = arith.select %lt3A_18, %add3A_56, %broadcast_in_dim3A_58 : vector<13x128xi1>, vector<13x128xf32>
    %eq3A_60 = arith.constant 0 : i32
    %eq3A_61 = vector.broadcast %eq3A_60 : i32 to vector<4x128xi32>
    %eq3A_62 = arith.cmpi eq, %add3A_16, %eq3A_61 : vector<4x128xi32>
    %jit3A_63 = arith.constant 0.000000e+00 : f32
    %broadcast_in_dim3A_64 = vector.broadcast %reduce_sum3A_24 : f32 to vector<4x128xf32>
    %broadcast_in_dim3A_65 = vector.broadcast %jit3A_63 : f32 to vector<4x128xf32>
    %select_n3A_66 = arith.select %eq3A_62, %broadcast_in_dim3A_64, %broadcast_in_dim3A_65 : vector<4x128xi1>, vector<4x128xf32>
    %swap3A = arith.constant 0 : index
    %swap3A_67 = arith.constant 0 : index
    %swap3A_68 = vector.load %arg3[%swap3A, %swap3A_67] : memref<4x128xf32, #tpu.memory_space<vmem>>, vector<4x128xf32>
    tpu.vector_store %arg3[%swap3A, %swap3A_67], %select_n3A_66 {strides = array<i32>} : memref<4x128xf32, #tpu.memory_space<vmem>>, vector<4x128xf32>,
    %eq3A_69 = arith.constant 0 : i32
    %eq3A_70 = vector.broadcast %eq3A_69 : i32 to vector<4x128xi32>
    %eq3A_71 = arith.cmpi eq, %add3A_16, %eq3A_70 : vector<4x128xi32>
    %jit3A_72 = arith.constant 0.000000e+00 : f32
    %broadcast_in_dim3A_73 = vector.broadcast %reduce_sum3A_35 : f32 to vector<4x128xf32>
    %broadcast_in_dim3A_74 = vector.broadcast %jit3A_72 : f32 to vector<4x128xf32>
    %select_n3A_75 = arith.select %eq3A_71, %broadcast_in_dim3A_73, %broadcast_in_dim3A_74 : vector<4x128xi1>, vector<4x128xf32>
    %swap3A_76 = arith.constant 0 : index
    %swap3A_77 = arith.constant 0 : index
    %swap3A_78 = vector.load %arg4[%swap3A_76, %swap3A_77] : memref<4x128xf32, #tpu.memory_space<vmem>>, vector<4x128xf32>
    tpu.vector_store %arg4[%swap3A_76, %swap3A_77], %select_n3A_75 {strides = array<i32>} : memref<4x128xf32, #tpu.memory_space<vmem>>, vector<4x128xf32>,
    %eq3A_79 = arith.constant 0 : i32
    %eq3A_80 = vector.broadcast %eq3A_79 : i32 to vector<4x128xi32>
    %eq3A_81 = arith.cmpi eq, %add3A_16, %eq3A_80 : vector<4x128xi32>
    %jit3A_82 = arith.constant 0.000000e+00 : f32
    %broadcast_in_dim3A_83 = vector.broadcast %reduce_sum3A_46 : f32 to vector<4x128xf32>
    %broadcast_in_dim3A_84 = vector.broadcast %jit3A_82 : f32 to vector<4x128xf32>
    %select_n3A_85 = arith.select %eq3A_81, %broadcast_in_dim3A_83, %broadcast_in_dim3A_84 : vector<4x128xi1>, vector<4x128xf32>
    %swap3A_86 = arith.constant 0 : index
    %swap3A_87 = arith.constant 0 : index
    %swap3A_88 = vector.load %arg5[%swap3A_86, %swap3A_87] : memref<4x128xf32, #tpu.memory_space<vmem>>, vector<4x128xf32>
    tpu.vector_store %arg5[%swap3A_86, %swap3A_87], %select_n3A_85 {strides = array<i32>} : memref<4x128xf32, #tpu.memory_space<vmem>>, vector<4x128xf32>,
    %scan3A = arith.constant 1 : i32
    %scan3A_89 = arith.constant 408 : i32
    %scan3A_90 = arith.addi %scan3A, %scan3A_89 : i32
    %scan3A_91 = arith.constant 1 : i32
    %scan3A_92 = scf.for %scan3A_94 = %scan3A to %scan3A_90 step %scan3A_91 iter_args(%scan3A_95 = %select_n3A_59) -> (vector<13x128xf32>)  : i32 {
      %reduce_max3A = vector.shape_cast %scan3A_95 : vector<13x128xf32> to vector<1x13x128xf32>
      %reduce_max3A_96 = arith.constant dense<0xFF800000> : vector<1xf32>
      %reduce_max3A_97 = vector.multi_reduction <maximumf>, %reduce_max3A, %reduce_max3A_96 [1, 2] : vector<1x13x128xf32> to vector<1xf32>
      %reduce_max3A_98 = vector.shape_cast %reduce_max3A_97 : vector<1xf32> to vector<1x1x1xf32>
      %reduce_max3A_99 = vector.extract %reduce_max3A_98[0, 0, 0] : f32 from vector<1x1x1xf32>
      %eq3A_100 = vector.broadcast %reduce_max3A_99 : f32 to vector<13x128xf32>
      %eq3A_101 = arith.cmpf oeq, %scan3A_95, %eq3A_100 : vector<13x128xf32>
      %jit3A_102 = arith.constant 2147483647 : i32
      %broadcast_in_dim3A_103 = vector.broadcast %jit3A_102 : i32 to vector<13x128xi32>
      %select_n3A_104 = arith.select %eq3A_101, %add3A, %broadcast_in_dim3A_103 : vector<13x128xi1>, vector<13x128xi32>
      %reduce_min3A = vector.shape_cast %select_n3A_104 : vector<13x128xi32> to vector<1x13x128xi32>
      %reduce_min3A_105 = arith.constant dense<2147483647> : vector<1xi32>
      %reduce_min3A_106 = vector.multi_reduction <minsi>, %reduce_min3A, %reduce_min3A_105 [1, 2] : vector<1x13x128xi32> to vector<1xi32>
      %reduce_min3A_107 = vector.shape_cast %reduce_min3A_106 : vector<1xi32> to vector<1x1x1xi32>
      %reduce_min3A_108 = vector.extract %reduce_min3A_107[0, 0, 0] : i32 from vector<1x1x1xi32>
      %eq3A_109 = vector.broadcast %reduce_min3A_108 : i32 to vector<13x128xi32>
      %eq3A_110 = arith.cmpi eq, %add3A, %eq3A_109 : vector<13x128xi32>
      %jit3A_111 = arith.constant 0.000000e+00 : f32
      %broadcast_in_dim3A_112 = vector.broadcast %jit3A_111 : f32 to vector<13x128xf32>
      %select_n3A_113 = arith.select %eq3A_110, %get3A_1, %broadcast_in_dim3A_112 : vector<13x128xi1>, vector<13x128xf32>
      %reduce_sum3A_114 = vector.shape_cast %select_n3A_113 : vector<13x128xf32> to vector<1x13x128xf32>
      %reduce_sum3A_115 = arith.constant dense<0.000000e+00> : vector<1xf32>
      %reduce_sum3A_116 = vector.multi_reduction <add>, %reduce_sum3A_114, %reduce_sum3A_115 [1, 2] : vector<1x13x128xf32> to vector<1xf32>
      %reduce_sum3A_117 = vector.shape_cast %reduce_sum3A_116 : vector<1xf32> to vector<1x1x1xf32>
      %reduce_sum3A_118 = vector.extract %reduce_sum3A_117[0, 0, 0] : f32 from vector<1x1x1xf32>
      %jit3A_119 = arith.constant 0.000000e+00 : f32
      %broadcast_in_dim3A_120 = vector.broadcast %jit3A_119 : f32 to vector<13x128xf32>
      %select_n3A_121 = arith.select %eq3A_110, %get3A_4, %broadcast_in_dim3A_120 : vector<13x128xi1>, vector<13x128xf32>
      %reduce_sum3A_122 = vector.shape_cast %select_n3A_121 : vector<13x128xf32> to vector<1x13x128xf32>
      %reduce_sum3A_123 = arith.constant dense<0.000000e+00> : vector<1xf32>
      %reduce_sum3A_124 = vector.multi_reduction <add>, %reduce_sum3A_122, %reduce_sum3A_123 [1, 2] : vector<1x13x128xf32> to vector<1xf32>
      %reduce_sum3A_125 = vector.shape_cast %reduce_sum3A_124 : vector<1xf32> to vector<1x1x1xf32>
      %reduce_sum3A_126 = vector.extract %reduce_sum3A_125[0, 0, 0] : f32 from vector<1x1x1xf32>
      %jit3A_127 = arith.constant 0.000000e+00 : f32
      %broadcast_in_dim3A_128 = vector.broadcast %jit3A_127 : f32 to vector<13x128xf32>
      %select_n3A_129 = arith.select %eq3A_110, %get3A_7, %broadcast_in_dim3A_128 : vector<13x128xi1>, vector<13x128xf32>
      %reduce_sum3A_130 = vector.shape_cast %select_n3A_129 : vector<13x128xf32> to vector<1x13x128xf32>
      %reduce_sum3A_131 = arith.constant dense<0.000000e+00> : vector<1xf32>
      %reduce_sum3A_132 = vector.multi_reduction <add>, %reduce_sum3A_130, %reduce_sum3A_131 [1, 2] : vector<1x13x128xf32> to vector<1xf32>
      %reduce_sum3A_133 = vector.shape_cast %reduce_sum3A_132 : vector<1xf32> to vector<1x1x1xf32>
      %reduce_sum3A_134 = vector.extract %reduce_sum3A_133[0, 0, 0] : f32 from vector<1x1x1xf32>
      %sub3A_135 = vector.broadcast %reduce_sum3A_118 : f32 to vector<13x128xf32>
      %sub3A_136 = arith.subf %get3A_1, %sub3A_135 : vector<13x128xf32>
      %sub3A_137 = vector.broadcast %reduce_sum3A_126 : f32 to vector<13x128xf32>
      %sub3A_138 = arith.subf %get3A_4, %sub3A_137 : vector<13x128xf32>
      %sub3A_139 = vector.broadcast %reduce_sum3A_134 : f32 to vector<13x128xf32>
      %sub3A_140 = arith.subf %get3A_7, %sub3A_139 : vector<13x128xf32>
      %mul3A_141 = arith.mulf %sub3A_136, %sub3A_136 : vector<13x128xf32>
      %mul3A_142 = arith.mulf %sub3A_138, %sub3A_138 : vector<13x128xf32>
      %add3A_143 = arith.addf %mul3A_141, %mul3A_142 : vector<13x128xf32>
      %mul3A_144 = arith.mulf %sub3A_140, %sub3A_140 : vector<13x128xf32>
      %add3A_145 = arith.addf %add3A_143, %mul3A_144 : vector<13x128xf32>
      %eq3A_146 = vector.broadcast %scan3A_94 : i32 to vector<4x128xi32>
      %eq3A_147 = arith.cmpi eq, %add3A_16, %eq3A_146 : vector<4x128xi32>
      %get3A_148 = arith.constant 0 : index
      %get3A_149 = arith.constant 0 : index
      %get3A_150 = vector.load %arg3[%get3A_148, %get3A_149] : memref<4x128xf32, #tpu.memory_space<vmem>>, vector<4x128xf32>
      %broadcast_in_dim3A_151 = vector.broadcast %reduce_sum3A_118 : f32 to vector<4x128xf32>
      %select_n3A_152 = arith.select %eq3A_147, %broadcast_in_dim3A_151, %get3A_150 : vector<4x128xi1>, vector<4x128xf32>
      %swap3A_153 = arith.constant 0 : index
      %swap3A_154 = arith.constant 0 : index
      %swap3A_155 = vector.load %arg3[%swap3A_153, %swap3A_154] : memref<4x128xf32, #tpu.memory_space<vmem>>, vector<4x128xf32>
      tpu.vector_store %arg3[%swap3A_153, %swap3A_154], %select_n3A_152 {strides = array<i32>} : memref<4x128xf32, #tpu.memory_space<vmem>>, vector<4x128xf32>,
      %get3A_156 = arith.constant 0 : index
      %get3A_157 = arith.constant 0 : index
      %get3A_158 = vector.load %arg4[%get3A_156, %get3A_157] : memref<4x128xf32, #tpu.memory_space<vmem>>, vector<4x128xf32>
      %broadcast_in_dim3A_159 = vector.broadcast %reduce_sum3A_126 : f32 to vector<4x128xf32>
      %select_n3A_160 = arith.select %eq3A_147, %broadcast_in_dim3A_159, %get3A_158 : vector<4x128xi1>, vector<4x128xf32>
      %swap3A_161 = arith.constant 0 : index
      %swap3A_162 = arith.constant 0 : index
      %swap3A_163 = vector.load %arg4[%swap3A_161, %swap3A_162] : memref<4x128xf32, #tpu.memory_space<vmem>>, vector<4x128xf32>
      tpu.vector_store %arg4[%swap3A_161, %swap3A_162], %select_n3A_160 {strides = array<i32>} : memref<4x128xf32, #tpu.memory_space<vmem>>, vector<4x128xf32>,
      %get3A_164 = arith.constant 0 : index
      %get3A_165 = arith.constant 0 : index
      %get3A_166 = vector.load %arg5[%get3A_164, %get3A_165] : memref<4x128xf32, #tpu.memory_space<vmem>>, vector<4x128xf32>
      %broadcast_in_dim3A_167 = vector.broadcast %reduce_sum3A_134 : f32 to vector<4x128xf32>
      %select_n3A_168 = arith.select %eq3A_147, %broadcast_in_dim3A_167, %get3A_166 : vector<4x128xi1>, vector<4x128xf32>
      %swap3A_169 = arith.constant 0 : index
      %swap3A_170 = arith.constant 0 : index
      %swap3A_171 = vector.load %arg5[%swap3A_169, %swap3A_170] : memref<4x128xf32, #tpu.memory_space<vmem>>, vector<4x128xf32>
      tpu.vector_store %arg5[%swap3A_169, %swap3A_170], %select_n3A_168 {strides = array<i32>} : memref<4x128xf32, #tpu.memory_space<vmem>>, vector<4x128xf32>,
      %min3A = arith.minimumf %scan3A_95, %add3A_145 : vector<13x128xf32>
      scf.yield %min3A : vector<13x128xf32>
    }
    %scan3A_93 = arith.constant 408 : i32
    return
  }
}

module attributes {stable_mosaic.version = 14 : i64} {
  func.func @_rsearch_body(%arg0: i32, %arg1: memref<256x3xf32, #tpu.memory_space<vmem>>, %arg2: memref<1x1664xf32, #tpu.memory_space<vmem>>, %arg3: memref<1x1664xf32, #tpu.memory_space<vmem>>, %arg4: memref<1x1664xf32, #tpu.memory_space<vmem>>, %arg5: memref<256x1664xf32, #tpu.memory_space<vmem>>, %arg6: memref<256x1xf32, #tpu.memory_space<vmem>>, %arg7: memref<256x1xi32, #tpu.memory_space<vmem>>) attributes {dimension_semantics = [#tpu.dimension_semantics<arbitrary>], iteration_bounds = array<i64: 2>, scalar_prefetch = 0 : i64, scratch_operands = 0 : i64, tpu.core_type = #tpu.core_type<tc>, window_params = [{transform_indices = @transform_0, window_bounds = array<i64: 256, 3>}, {pipeline_mode = #tpu.pipeline_mode<synchronous>, transform_indices = @transform_1, window_bounds = array<i64: 1, 1664>}, {pipeline_mode = #tpu.pipeline_mode<synchronous>, transform_indices = @transform_2, window_bounds = array<i64: 1, 1664>}, {pipeline_mode = #tpu.pipeline_mode<synchronous>, transform_indices = @transform_3, window_bounds = array<i64: 1, 1664>}, {transform_indices = @transform_4, window_bounds = array<i64: 256, 1664>}, {transform_indices = @transform_5, window_bounds = array<i64: 256, 1>}, {transform_indices = @transform_6, window_bounds = array<i64: 256, 1>}]} {
    %get3A = arith.constant 0 : index
    %get3A_0 = arith.constant 0 : index
    %get3A_1 = vector.load %arg1[%get3A, %get3A_0] : memref<256x3xf32, #tpu.memory_space<vmem>>, vector<256x1xf32>
    %get3A_2 = arith.constant 0 : index
    %get3A_3 = arith.constant 1 : index
    %get3A_4 = vector.load %arg1[%get3A_2, %get3A_3] : memref<256x3xf32, #tpu.memory_space<vmem>>, vector<256x1xf32>
    %get3A_5 = arith.constant 0 : index
    %get3A_6 = arith.constant 2 : index
    %get3A_7 = vector.load %arg1[%get3A_5, %get3A_6] : memref<256x3xf32, #tpu.memory_space<vmem>>, vector<256x1xf32>
    %get3A_8 = arith.constant 0 : index
    %get3A_9 = arith.constant 0 : index
    %get3A_10 = vector.load %arg2[%get3A_8, %get3A_9] : memref<1x1664xf32, #tpu.memory_space<vmem>>, vector<1x1664xf32>
    %sub3A = vector.broadcast %get3A_1 : vector<256x1xf32> to vector<256x1664xf32>
    %sub3A_11 = vector.broadcast %get3A_10 : vector<1x1664xf32> to vector<256x1664xf32>
    %sub3A_12 = arith.subf %sub3A, %sub3A_11 : vector<256x1664xf32>
    %get3A_13 = arith.constant 0 : index
    %get3A_14 = arith.constant 0 : index
    %get3A_15 = vector.load %arg3[%get3A_13, %get3A_14] : memref<1x1664xf32, #tpu.memory_space<vmem>>, vector<1x1664xf32>
    %sub3A_16 = vector.broadcast %get3A_4 : vector<256x1xf32> to vector<256x1664xf32>
    %sub3A_17 = vector.broadcast %get3A_15 : vector<1x1664xf32> to vector<256x1664xf32>
    %sub3A_18 = arith.subf %sub3A_16, %sub3A_17 : vector<256x1664xf32>
    %get3A_19 = arith.constant 0 : index
    %get3A_20 = arith.constant 0 : index
    %get3A_21 = vector.load %arg4[%get3A_19, %get3A_20] : memref<1x1664xf32, #tpu.memory_space<vmem>>, vector<1x1664xf32>
    %sub3A_22 = vector.broadcast %get3A_7 : vector<256x1xf32> to vector<256x1664xf32>
    %sub3A_23 = vector.broadcast %get3A_21 : vector<1x1664xf32> to vector<256x1664xf32>
    %sub3A_24 = arith.subf %sub3A_22, %sub3A_23 : vector<256x1664xf32>
    %mul3A = arith.mulf %sub3A_12, %sub3A_12 : vector<256x1664xf32>
    %mul3A_25 = arith.mulf %sub3A_18, %sub3A_18 : vector<256x1664xf32>
    %add3A = arith.addf %mul3A, %mul3A_25 : vector<256x1664xf32>
    %mul3A_26 = arith.mulf %sub3A_24, %sub3A_24 : vector<256x1664xf32>
    %add3A_27 = arith.addf %add3A, %mul3A_26 : vector<256x1664xf32>
    %iota3A = tpu.iota {dimensions = array<i32: 1>} : vector<256x1664xi32>
    %lt3A = arith.constant 1638 : i32
    %lt3A_28 = vector.broadcast %lt3A : i32 to vector<256x1664xi32>
    %lt3A_29 = arith.cmpi slt, %iota3A, %lt3A_28 : vector<256x1664xi32>
    %le3A = arith.constant 1.600000e-01 : f32
    %le3A_30 = vector.broadcast %le3A : f32 to vector<256x1664xf32>
    %le3A_31 = arith.cmpf ole, %add3A_27, %le3A_30 : vector<256x1664xf32>
    %and3A = arith.andi %lt3A_29, %le3A_31 : vector<256x1664xi1>
    %jit3A = arith.constant 0x7F800000 : f32
    %broadcast_in_dim3A = vector.broadcast %jit3A : f32 to vector<256x1664xf32>
    %select_n3A = arith.select %and3A, %add3A_27, %broadcast_in_dim3A : vector<256x1664xi1>, vector<256x1664xf32>
    %swap3A = arith.constant 0 : index
    %swap3A_32 = arith.constant 0 : index
    %swap3A_33 = vector.load %arg5[%swap3A, %swap3A_32] : memref<256x1664xf32, #tpu.memory_space<vmem>>, vector<256x1664xf32>
    tpu.vector_store %arg5[%swap3A, %swap3A_32], %select_n3A {strides = array<i32>} : memref<256x1664xf32, #tpu.memory_space<vmem>>, vector<256x1664xf32>,
    %bitcast_convert_type3A = tpu.bitcast %select_n3A : vector<256x1664xf32> -> vector<256x1664xi32>
    %lt3A_34 = arith.constant 2139095040 : i32
    %lt3A_35 = vector.broadcast %lt3A_34 : i32 to vector<256x1664xi32>
    %lt3A_36 = arith.cmpi slt, %bitcast_convert_type3A, %lt3A_35 : vector<256x1664xi32>
    %convert_element_type3A = arith.extui %lt3A_36 : vector<256x1664xi1> to vector<256x1664xi32>
    %reduce_sum3A = arith.constant dense<0> : vector<256xi32>
    %reduce_sum3A_37 = vector.multi_reduction <add>, %convert_element_type3A, %reduce_sum3A [1] : vector<256x1664xi32> to vector<256xi32>
    %broadcast_in_dim3A_38 = vector.shape_cast %reduce_sum3A_37 : vector<256xi32> to vector<256x1xi32>
    %min3A = arith.constant 64 : i32
    %min3A_39 = vector.broadcast %min3A : i32 to vector<256x1xi32>
    %min3A_40 = arith.minsi %broadcast_in_dim3A_38, %min3A_39 : vector<256x1xi32>
    %swap3A_41 = arith.constant 0 : index
    %swap3A_42 = arith.constant 0 : index
    %swap3A_43 = vector.load %arg7[%swap3A_41, %swap3A_42] : memref<256x1xi32, #tpu.memory_space<vmem>>, vector<256x1xi32>
    tpu.vector_store %arg7[%swap3A_41, %swap3A_42], %min3A_40 {strides = array<i32>} : memref<256x1xi32, #tpu.memory_space<vmem>>, vector<256x1xi32>,
    %broadcast_in_dim3A_44 = arith.constant 0 : i32
    %broadcast_in_dim3A_45 = vector.broadcast %broadcast_in_dim3A_44 : i32 to vector<256x1xi32>
    %broadcast_in_dim3A_46 = arith.constant 2139095040 : i32
    %broadcast_in_dim3A_47 = vector.broadcast %broadcast_in_dim3A_46 : i32 to vector<256x1xi32>
    %scan3A = arith.constant 0 : i32
    %scan3A_48 = arith.constant 31 : i32
    %scan3A_49 = arith.addi %scan3A, %scan3A_48 : i32
    %scan3A_50 = arith.constant 1 : i32
    %scan3A_51:2 = scf.for %scan3A_61 = %scan3A to %scan3A_49 step %scan3A_50 iter_args(%scan3A_62 = %broadcast_in_dim3A_45, %scan3A_63 = %broadcast_in_dim3A_47) -> (vector<256x1xi32>, vector<256x1xi32>)  : i32 {
      %sub3A_64 = arith.subi %scan3A_63, %scan3A_62 : vector<256x1xi32>
      %shift_right_arithmetic3A = arith.constant 1 : i32
      %shift_right_arithmetic3A_65 = vector.broadcast %shift_right_arithmetic3A : i32 to vector<256x1xi32>
      %shift_right_arithmetic3A_66 = arith.shrsi %sub3A_64, %shift_right_arithmetic3A_65 : vector<256x1xi32>
      %add3A_67 = arith.addi %scan3A_62, %shift_right_arithmetic3A_66 : vector<256x1xi32>
      %le3A_68 = vector.broadcast %add3A_67 : vector<256x1xi32> to vector<256x1664xi32>
      %le3A_69 = arith.cmpi sle, %bitcast_convert_type3A, %le3A_68 : vector<256x1664xi32>
      %convert_element_type3A_70 = arith.extui %le3A_69 : vector<256x1664xi1> to vector<256x1664xi32>
      %reduce_sum3A_71 = arith.constant dense<0> : vector<256xi32>
      %reduce_sum3A_72 = vector.multi_reduction <add>, %convert_element_type3A_70, %reduce_sum3A_71 [1] : vector<256x1664xi32> to vector<256xi32>
      %broadcast_in_dim3A_73 = vector.shape_cast %reduce_sum3A_72 : vector<256xi32> to vector<256x1xi32>
      %lt3A_74 = arith.constant 64 : i32
      %lt3A_75 = vector.broadcast %lt3A_74 : i32 to vector<256x1xi32>
      %lt3A_76 = arith.cmpi slt, %broadcast_in_dim3A_73, %lt3A_75 : vector<256x1xi32>
      %add3A_77 = arith.constant 1 : i32
      %add3A_78 = vector.broadcast %add3A_77 : i32 to vector<256x1xi32>
      %add3A_79 = arith.addi %add3A_67, %add3A_78 : vector<256x1xi32>
      %select_n3A_80 = arith.select %lt3A_76, %add3A_79, %scan3A_62 : vector<256x1xi1>, vector<256x1xi32>
      %select_n3A_81 = arith.select %lt3A_76, %scan3A_63, %add3A_67 : vector<256x1xi1>, vector<256x1xi32>
      scf.yield %select_n3A_80, %select_n3A_81 : vector<256x1xi32>, vector<256x1xi32>
    }
    %eq3A = arith.constant 2139095040 : i32
    %eq3A_52 = vector.broadcast %eq3A : i32 to vector<256x1xi32>
    %eq3A_53 = arith.cmpi eq, %scan3A_51#1, %eq3A_52 : vector<256x1xi32>
    %jit3A_54 = arith.constant 2139095039 : i32
    %broadcast_in_dim3A_55 = vector.broadcast %jit3A_54 : i32 to vector<256x1xi32>
    %select_n3A_56 = arith.select %eq3A_53, %broadcast_in_dim3A_55, %scan3A_51#1 : vector<256x1xi1>, vector<256x1xi32>
    %bitcast_convert_type3A_57 = tpu.bitcast %select_n3A_56 : vector<256x1xi32> -> vector<256x1xf32>
    %swap3A_58 = arith.constant 0 : index
    %swap3A_59 = arith.constant 0 : index
    %swap3A_60 = vector.load %arg6[%swap3A_58, %swap3A_59] : memref<256x1xf32, #tpu.memory_space<vmem>>, vector<256x1xf32>
    tpu.vector_store %arg6[%swap3A_58, %swap3A_59], %bitcast_convert_type3A_57 {strides = array<i32>} : memref<256x1xf32, #tpu.memory_space<vmem>>, vector<256x1xf32>,
    return
  }
  func.func @transform_0(%arg0: i32) -> (i32, i32) {
    %c0_i32 = arith.constant 0 : i32
    %c0_i32_0 = arith.constant 0 : i32
    return %arg0, %c0_i32 : i32, i32
  }
  func.func @transform_1(%arg0: i32) -> (i32, i32) {
    %c0_i32 = arith.constant 0 : i32
    %c0_i32_0 = arith.constant 0 : i32
    %c0_i32_1 = arith.constant 0 : i32
    return %c0_i32, %c0_i32_0 : i32, i32
  }
  func.func @transform_2(%arg0: i32) -> (i32, i32) {
    %c0_i32 = arith.constant 0 : i32
    %c0_i32_0 = arith.constant 0 : i32
    %c0_i32_1 = arith.constant 0 : i32
    return %c0_i32, %c0_i32_0 : i32, i32
  }
  func.func @transform_3(%arg0: i32) -> (i32, i32) {
    %c0_i32 = arith.constant 0 : i32
    %c0_i32_0 = arith.constant 0 : i32
    %c0_i32_1 = arith.constant 0 : i32
    return %c0_i32, %c0_i32_0 : i32, i32
  }
  func.func @transform_4(%arg0: i32) -> (i32, i32) {
    %c0_i32 = arith.constant 0 : i32
    %c0_i32_0 = arith.constant 0 : i32
    return %arg0, %c0_i32 : i32, i32
  }
  func.func @transform_5(%arg0: i32) -> (i32, i32) {
    %c0_i32 = arith.constant 0 : i32
    %c0_i32_0 = arith.constant 0 : i32
    return %arg0, %c0_i32 : i32, i32
  }
  func.func @transform_6(%arg0: i32) -> (i32, i32) {
    %c0_i32 = arith.constant 0 : i32
    %c0_i32_0 = arith.constant 0 : i32
    return %arg0, %c0_i32 : i32, i32
  }
}

module attributes {stable_mosaic.version = 14 : i64} {
  func.func @_knn3_body(%arg0: i32, %arg1: memref<512x3xf32, #tpu.memory_space<vmem>>, %arg2: memref<1x512xf32, #tpu.memory_space<vmem>>, %arg3: memref<1x512xf32, #tpu.memory_space<vmem>>, %arg4: memref<1x512xf32, #tpu.memory_space<vmem>>, %arg5: memref<512x256xf32, #tpu.memory_space<vmem>>, %arg6: memref<512x256xf32, #tpu.memory_space<vmem>>) attributes {dimension_semantics = [#tpu.dimension_semantics<arbitrary>], iteration_bounds = array<i64: 4>, scalar_prefetch = 0 : i64, scratch_operands = 0 : i64, tpu.core_type = #tpu.core_type<tc>, window_params = [{transform_indices = @transform_0, window_bounds = array<i64: 512, 3>}, {pipeline_mode = #tpu.pipeline_mode<synchronous>, transform_indices = @transform_1, window_bounds = array<i64: 1, 512>}, {pipeline_mode = #tpu.pipeline_mode<synchronous>, transform_indices = @transform_2, window_bounds = array<i64: 1, 512>}, {pipeline_mode = #tpu.pipeline_mode<synchronous>, transform_indices = @transform_3, window_bounds = array<i64: 1, 512>}, {pipeline_mode = #tpu.pipeline_mode<synchronous>, transform_indices = @transform_4, window_bounds = array<i64: 512, 256>}, {transform_indices = @transform_5, window_bounds = array<i64: 512, 256>}]} {
    %get3A = arith.constant 0 : index
    %get3A_0 = arith.constant 0 : index
    %get3A_1 = vector.load %arg1[%get3A, %get3A_0] : memref<512x3xf32, #tpu.memory_space<vmem>>, vector<512x1xf32>
    %get3A_2 = arith.constant 0 : index
    %get3A_3 = arith.constant 1 : index
    %get3A_4 = vector.load %arg1[%get3A_2, %get3A_3] : memref<512x3xf32, #tpu.memory_space<vmem>>, vector<512x1xf32>
    %get3A_5 = arith.constant 0 : index
    %get3A_6 = arith.constant 2 : index
    %get3A_7 = vector.load %arg1[%get3A_5, %get3A_6] : memref<512x3xf32, #tpu.memory_space<vmem>>, vector<512x1xf32>
    %get3A_8 = arith.constant 0 : index
    %get3A_9 = arith.constant 0 : index
    %get3A_10 = vector.load %arg2[%get3A_8, %get3A_9] : memref<1x512xf32, #tpu.memory_space<vmem>>, vector<1x512xf32>
    %sub3A = vector.broadcast %get3A_1 : vector<512x1xf32> to vector<512x512xf32>
    %sub3A_11 = vector.broadcast %get3A_10 : vector<1x512xf32> to vector<512x512xf32>
    %sub3A_12 = arith.subf %sub3A, %sub3A_11 : vector<512x512xf32>
    %get3A_13 = arith.constant 0 : index
    %get3A_14 = arith.constant 0 : index
    %get3A_15 = vector.load %arg3[%get3A_13, %get3A_14] : memref<1x512xf32, #tpu.memory_space<vmem>>, vector<1x512xf32>
    %sub3A_16 = vector.broadcast %get3A_4 : vector<512x1xf32> to vector<512x512xf32>
    %sub3A_17 = vector.broadcast %get3A_15 : vector<1x512xf32> to vector<512x512xf32>
    %sub3A_18 = arith.subf %sub3A_16, %sub3A_17 : vector<512x512xf32>
    %get3A_19 = arith.constant 0 : index
    %get3A_20 = arith.constant 0 : index
    %get3A_21 = vector.load %arg4[%get3A_19, %get3A_20] : memref<1x512xf32, #tpu.memory_space<vmem>>, vector<1x512xf32>
    %sub3A_22 = vector.broadcast %get3A_7 : vector<512x1xf32> to vector<512x512xf32>
    %sub3A_23 = vector.broadcast %get3A_21 : vector<1x512xf32> to vector<512x512xf32>
    %sub3A_24 = arith.subf %sub3A_22, %sub3A_23 : vector<512x512xf32>
    %mul3A = arith.mulf %sub3A_12, %sub3A_12 : vector<512x512xf32>
    %mul3A_25 = arith.mulf %sub3A_18, %sub3A_18 : vector<512x512xf32>
    %add3A = arith.addf %mul3A, %mul3A_25 : vector<512x512xf32>
    %mul3A_26 = arith.mulf %sub3A_24, %sub3A_24 : vector<512x512xf32>
    %add3A_27 = arith.addf %add3A, %mul3A_26 : vector<512x512xf32>
    %iota3A = tpu.iota {dimensions = array<i32: 1>} : vector<512x512xi32>
    %lt3A = arith.constant 409 : i32
    %lt3A_28 = vector.broadcast %lt3A : i32 to vector<512x512xi32>
    %lt3A_29 = arith.cmpi slt, %iota3A, %lt3A_28 : vector<512x512xi32>
    %jit3A = arith.constant 0x7F800000 : f32
    %broadcast_in_dim3A = vector.broadcast %jit3A : f32 to vector<512x512xf32>
    %select_n3A = arith.select %lt3A_29, %add3A_27, %broadcast_in_dim3A : vector<512x512xi1>, vector<512x512xf32>
    %broadcast_in_dim3A_30 = arith.constant 0.000000e+00 : f32
    %broadcast_in_dim3A_31 = vector.broadcast %broadcast_in_dim3A_30 : f32 to vector<512x512xf32>
    %broadcast_in_dim3A_32 = arith.constant 0.000000e+00 : f32
    %broadcast_in_dim3A_33 = vector.broadcast %broadcast_in_dim3A_32 : f32 to vector<512x1xf32>
    %reduce_min3A = arith.constant dense<0x7F800000> : vector<512xf32>
    %reduce_min3A_34 = vector.multi_reduction <minimumf>, %select_n3A, %reduce_min3A [1] : vector<512x512xf32> to vector<512xf32>
    %broadcast_in_dim3A_35 = vector.shape_cast %reduce_min3A_34 : vector<512xf32> to vector<512x1xf32>
    %eq3A = vector.broadcast %broadcast_in_dim3A_35 : vector<512x1xf32> to vector<512x512xf32>
    %eq3A_36 = arith.cmpf oeq, %select_n3A, %eq3A : vector<512x512xf32>
    %jit3A_37 = arith.constant 2147483647 : i32
    %broadcast_in_dim3A_38 = vector.broadcast %jit3A_37 : i32 to vector<512x512xi32>
    %select_n3A_39 = arith.select %eq3A_36, %iota3A, %broadcast_in_dim3A_38 : vector<512x512xi1>, vector<512x512xi32>
    %reduce_min3A_40 = arith.constant dense<2147483647> : vector<512xi32>
    %reduce_min3A_41 = vector.multi_reduction <minsi>, %select_n3A_39, %reduce_min3A_40 [1] : vector<512x512xi32> to vector<512xi32>
    %broadcast_in_dim3A_42 = vector.shape_cast %reduce_min3A_41 : vector<512xi32> to vector<512x1xi32>
    %eq3A_43 = vector.broadcast %broadcast_in_dim3A_42 : vector<512x1xi32> to vector<512x512xi32>
    %eq3A_44 = arith.cmpi eq, %iota3A, %eq3A_43 : vector<512x512xi32>
    %jit3A_45 = arith.constant 0x7F800000 : f32
    %broadcast_in_dim3A_46 = vector.broadcast %jit3A_45 : f32 to vector<512x512xf32>
    %select_n3A_47 = arith.select %eq3A_44, %broadcast_in_dim3A_46, %select_n3A : vector<512x512xi1>, vector<512x512xf32>
    %max3A = arith.constant 1.000000e-16 : f32
    %max3A_48 = vector.broadcast %max3A : f32 to vector<512x1xf32>
    %max3A_49 = arith.maximumf %broadcast_in_dim3A_35, %max3A_48 : vector<512x1xf32>
    %div3A = arith.constant 1.000000e+00 : f32
    %div3A_50 = vector.broadcast %div3A : f32 to vector<512x1xf32>
    %div3A_51 = arith.divf %div3A_50, %max3A_49 : vector<512x1xf32>
    %add3A_52 = arith.addf %broadcast_in_dim3A_33, %div3A_51 : vector<512x1xf32>
    %reduce_min3A_53 = arith.constant dense<0x7F800000> : vector<512xf32>
    %reduce_min3A_54 = vector.multi_reduction <minimumf>, %select_n3A_47, %reduce_min3A_53 [1] : vector<512x512xf32> to vector<512xf32>
    %broadcast_in_dim3A_55 = vector.shape_cast %reduce_min3A_54 : vector<512xf32> to vector<512x1xf32>
    %eq3A_56 = vector.broadcast %broadcast_in_dim3A_55 : vector<512x1xf32> to vector<512x512xf32>
    %eq3A_57 = arith.cmpf oeq, %select_n3A_47, %eq3A_56 : vector<512x512xf32>
    %jit3A_58 = arith.constant 2147483647 : i32
    %broadcast_in_dim3A_59 = vector.broadcast %jit3A_58 : i32 to vector<512x512xi32>
    %select_n3A_60 = arith.select %eq3A_57, %iota3A, %broadcast_in_dim3A_59 : vector<512x512xi1>, vector<512x512xi32>
    %reduce_min3A_61 = arith.constant dense<2147483647> : vector<512xi32>
    %reduce_min3A_62 = vector.multi_reduction <minsi>, %select_n3A_60, %reduce_min3A_61 [1] : vector<512x512xi32> to vector<512xi32>
    %broadcast_in_dim3A_63 = vector.shape_cast %reduce_min3A_62 : vector<512xi32> to vector<512x1xi32>
    %eq3A_64 = vector.broadcast %broadcast_in_dim3A_63 : vector<512x1xi32> to vector<512x512xi32>
    %eq3A_65 = arith.cmpi eq, %iota3A, %eq3A_64 : vector<512x512xi32>
    %jit3A_66 = arith.constant 0x7F800000 : f32
    %broadcast_in_dim3A_67 = vector.broadcast %jit3A_66 : f32 to vector<512x512xf32>
    %select_n3A_68 = arith.select %eq3A_65, %broadcast_in_dim3A_67, %select_n3A_47 : vector<512x512xi1>, vector<512x512xf32>
    %max3A_69 = arith.constant 1.000000e-16 : f32
    %max3A_70 = vector.broadcast %max3A_69 : f32 to vector<512x1xf32>
    %max3A_71 = arith.maximumf %broadcast_in_dim3A_55, %max3A_70 : vector<512x1xf32>
    %div3A_72 = arith.constant 1.000000e+00 : f32
    %div3A_73 = vector.broadcast %div3A_72 : f32 to vector<512x1xf32>
    %div3A_74 = arith.divf %div3A_73, %max3A_71 : vector<512x1xf32>
    %add3A_75 = arith.addf %add3A_52, %div3A_74 : vector<512x1xf32>
    %reduce_min3A_76 = arith.constant dense<0x7F800000> : vector<512xf32>
    %reduce_min3A_77 = vector.multi_reduction <minimumf>, %select_n3A_68, %reduce_min3A_76 [1] : vector<512x512xf32> to vector<512xf32>
    %broadcast_in_dim3A_78 = vector.shape_cast %reduce_min3A_77 : vector<512xf32> to vector<512x1xf32>
    %eq3A_79 = vector.broadcast %broadcast_in_dim3A_78 : vector<512x1xf32> to vector<512x512xf32>
    %eq3A_80 = arith.cmpf oeq, %select_n3A_68, %eq3A_79 : vector<512x512xf32>
    %jit3A_81 = arith.constant 2147483647 : i32
    %broadcast_in_dim3A_82 = vector.broadcast %jit3A_81 : i32 to vector<512x512xi32>
    %select_n3A_83 = arith.select %eq3A_80, %iota3A, %broadcast_in_dim3A_82 : vector<512x512xi1>, vector<512x512xi32>
    %reduce_min3A_84 = arith.constant dense<2147483647> : vector<512xi32>
    %reduce_min3A_85 = vector.multi_reduction <minsi>, %select_n3A_83, %reduce_min3A_84 [1] : vector<512x512xi32> to vector<512xi32>
    %broadcast_in_dim3A_86 = vector.shape_cast %reduce_min3A_85 : vector<512xi32> to vector<512x1xi32>
    %eq3A_87 = vector.broadcast %broadcast_in_dim3A_86 : vector<512x1xi32> to vector<512x512xi32>
    %eq3A_88 = arith.cmpi eq, %iota3A, %eq3A_87 : vector<512x512xi32>
    %max3A_89 = arith.constant 1.000000e-16 : f32
    %max3A_90 = vector.broadcast %max3A_89 : f32 to vector<512x1xf32>
    %max3A_91 = arith.maximumf %broadcast_in_dim3A_78, %max3A_90 : vector<512x1xf32>
    %div3A_92 = arith.constant 1.000000e+00 : f32
    %div3A_93 = vector.broadcast %div3A_92 : f32 to vector<512x1xf32>
    %div3A_94 = arith.divf %div3A_93, %max3A_91 : vector<512x1xf32>
    %add3A_95 = arith.addf %add3A_75, %div3A_94 : vector<512x1xf32>
    %div3A_96 = arith.divf %div3A_51, %add3A_95 : vector<512x1xf32>
    %jit3A_97 = arith.constant 0.000000e+00 : f32
    %broadcast_in_dim3A_98 = vector.shape_cast %div3A_96 : vector<512x1xf32> to vector<512x1xf32>
    %broadcast_in_dim3A_99 = vector.broadcast %broadcast_in_dim3A_98 : vector<512x1xf32> to vector<512x512xf32>
    %broadcast_in_dim3A_100 = vector.broadcast %jit3A_97 : f32 to vector<512x512xf32>
    %select_n3A_101 = arith.select %eq3A_44, %broadcast_in_dim3A_99, %broadcast_in_dim3A_100 : vector<512x512xi1>, vector<512x512xf32>
    %add3A_102 = arith.addf %broadcast_in_dim3A_31, %select_n3A_101 : vector<512x512xf32>
    %div3A_103 = arith.divf %div3A_74, %add3A_95 : vector<512x1xf32>
    %jit3A_104 = arith.constant 0.000000e+00 : f32
    %broadcast_in_dim3A_105 = vector.shape_cast %div3A_103 : vector<512x1xf32> to vector<512x1xf32>
    %broadcast_in_dim3A_106 = vector.broadcast %broadcast_in_dim3A_105 : vector<512x1xf32> to vector<512x512xf32>
    %broadcast_in_dim3A_107 = vector.broadcast %jit3A_104 : f32 to vector<512x512xf32>
    %select_n3A_108 = arith.select %eq3A_65, %broadcast_in_dim3A_106, %broadcast_in_dim3A_107 : vector<512x512xi1>, vector<512x512xf32>
    %add3A_109 = arith.addf %add3A_102, %select_n3A_108 : vector<512x512xf32>
    %div3A_110 = arith.divf %div3A_94, %add3A_95 : vector<512x1xf32>
    %jit3A_111 = arith.constant 0.000000e+00 : f32
    %broadcast_in_dim3A_112 = vector.shape_cast %div3A_110 : vector<512x1xf32> to vector<512x1xf32>
    %broadcast_in_dim3A_113 = vector.broadcast %broadcast_in_dim3A_112 : vector<512x1xf32> to vector<512x512xf32>
    %broadcast_in_dim3A_114 = vector.broadcast %jit3A_111 : f32 to vector<512x512xf32>
    %select_n3A_115 = arith.select %eq3A_88, %broadcast_in_dim3A_113, %broadcast_in_dim3A_114 : vector<512x512xi1>, vector<512x512xf32>
    %add3A_116 = arith.addf %add3A_109, %select_n3A_115 : vector<512x512xf32>
    %get3A_117 = arith.constant 0 : index
    %get3A_118 = arith.constant 0 : index
    %get3A_119 = vector.load %arg5[%get3A_117, %get3A_118] : memref<512x256xf32, #tpu.memory_space<vmem>>, vector<512x256xf32>
    %dot_general3A = arith.constant dense<0.000000e+00> : vector<512x256xf32>
    %dot_general3A_120 = tpu.matmul %add3A_116, %get3A_119, %dot_general3A {dimension_numbers = #tpu.dot_dimension_numbers<[1], [0], [0], [1], [0, 0, 1, 1], [], []>, transpose_lhs_hint = false} : vector<512x512xf32>, vector<512x256xf32>, vector<512x256xf32> -> vector<512x256xf32>
    %swap3A = arith.constant 0 : index
    %swap3A_121 = arith.constant 0 : index
    %swap3A_122 = vector.load %arg6[%swap3A, %swap3A_121] : memref<512x256xf32, #tpu.memory_space<vmem>>, vector<512x256xf32>
    tpu.vector_store %arg6[%swap3A, %swap3A_121], %dot_general3A_120 {strides = array<i32>} : memref<512x256xf32, #tpu.memory_space<vmem>>, vector<512x256xf32>,
    return
  }
  func.func @transform_0(%arg0: i32) -> (i32, i32) {
    %c0_i32 = arith.constant 0 : i32
    %c0_i32_0 = arith.constant 0 : i32
    return %arg0, %c0_i32 : i32, i32
  }
  func.func @transform_1(%arg0: i32) -> (i32, i32) {
    %c0_i32 = arith.constant 0 : i32
    %c0_i32_0 = arith.constant 0 : i32
    %c0_i32_1 = arith.constant 0 : i32
    return %c0_i32, %c0_i32_0 : i32, i32
  }
  func.func @transform_2(%arg0: i32) -> (i32, i32) {
    %c0_i32 = arith.constant 0 : i32
    %c0_i32_0 = arith.constant 0 : i32
    %c0_i32_1 = arith.constant 0 : i32
    return %c0_i32, %c0_i32_0 : i32, i32
  }
  func.func @transform_3(%arg0: i32) -> (i32, i32) {
    %c0_i32 = arith.constant 0 : i32
    %c0_i32_0 = arith.constant 0 : i32
    %c0_i32_1 = arith.constant 0 : i32
    return %c0_i32, %c0_i32_0 : i32, i32
  }
  func.func @transform_4(%arg0: i32) -> (i32, i32) {
    %c0_i32 = arith.constant 0 : i32
    %c0_i32_0 = arith.constant 0 : i32
    %c0_i32_1 = arith.constant 0 : i32
    return %c0_i32, %c0_i32_0 : i32, i32
  }
  func.func @transform_5(%arg0: i32) -> (i32, i32) {
    %c0_i32 = arith.constant 0 : i32
    %c0_i32_0 = arith.constant 0 : i32
    return %arg0, %c0_i32 : i32, i32
  }
}

module attributes {stable_mosaic.version = 14 : i64} {
  func.func @_knn3_body(%arg0: i32, %arg1: memref<512x3xf32, #tpu.memory_space<vmem>>, %arg2: memref<1x1664xf32, #tpu.memory_space<vmem>>, %arg3: memref<1x1664xf32, #tpu.memory_space<vmem>>, %arg4: memref<1x1664xf32, #tpu.memory_space<vmem>>, %arg5: memref<1664x128xf32, #tpu.memory_space<vmem>>, %arg6: memref<512x128xf32, #tpu.memory_space<vmem>>) attributes {dimension_semantics = [#tpu.dimension_semantics<arbitrary>], iteration_bounds = array<i64: 16>, scalar_prefetch = 0 : i64, scratch_operands = 0 : i64, tpu.core_type = #tpu.core_type<tc>, window_params = [{transform_indices = @transform_0, window_bounds = array<i64: 512, 3>}, {pipeline_mode = #tpu.pipeline_mode<synchronous>, transform_indices = @transform_1, window_bounds = array<i64: 1, 1664>}, {pipeline_mode = #tpu.pipeline_mode<synchronous>, transform_indices = @transform_2, window_bounds = array<i64: 1, 1664>}, {pipeline_mode = #tpu.pipeline_mode<synchronous>, transform_indices = @transform_3, window_bounds = array<i64: 1, 1664>}, {pipeline_mode = #tpu.pipeline_mode<synchronous>, transform_indices = @transform_4, window_bounds = array<i64: 1664, 128>}, {transform_indices = @transform_5, window_bounds = array<i64: 512, 128>}]} {
    %get3A = arith.constant 0 : index
    %get3A_0 = arith.constant 0 : index
    %get3A_1 = vector.load %arg1[%get3A, %get3A_0] : memref<512x3xf32, #tpu.memory_space<vmem>>, vector<512x1xf32>
    %get3A_2 = arith.constant 0 : index
    %get3A_3 = arith.constant 1 : index
    %get3A_4 = vector.load %arg1[%get3A_2, %get3A_3] : memref<512x3xf32, #tpu.memory_space<vmem>>, vector<512x1xf32>
    %get3A_5 = arith.constant 0 : index
    %get3A_6 = arith.constant 2 : index
    %get3A_7 = vector.load %arg1[%get3A_5, %get3A_6] : memref<512x3xf32, #tpu.memory_space<vmem>>, vector<512x1xf32>
    %get3A_8 = arith.constant 0 : index
    %get3A_9 = arith.constant 0 : index
    %get3A_10 = vector.load %arg2[%get3A_8, %get3A_9] : memref<1x1664xf32, #tpu.memory_space<vmem>>, vector<1x1664xf32>
    %sub3A = vector.broadcast %get3A_1 : vector<512x1xf32> to vector<512x1664xf32>
    %sub3A_11 = vector.broadcast %get3A_10 : vector<1x1664xf32> to vector<512x1664xf32>
    %sub3A_12 = arith.subf %sub3A, %sub3A_11 : vector<512x1664xf32>
    %get3A_13 = arith.constant 0 : index
    %get3A_14 = arith.constant 0 : index
    %get3A_15 = vector.load %arg3[%get3A_13, %get3A_14] : memref<1x1664xf32, #tpu.memory_space<vmem>>, vector<1x1664xf32>
    %sub3A_16 = vector.broadcast %get3A_4 : vector<512x1xf32> to vector<512x1664xf32>
    %sub3A_17 = vector.broadcast %get3A_15 : vector<1x1664xf32> to vector<512x1664xf32>
    %sub3A_18 = arith.subf %sub3A_16, %sub3A_17 : vector<512x1664xf32>
    %get3A_19 = arith.constant 0 : index
    %get3A_20 = arith.constant 0 : index
    %get3A_21 = vector.load %arg4[%get3A_19, %get3A_20] : memref<1x1664xf32, #tpu.memory_space<vmem>>, vector<1x1664xf32>
    %sub3A_22 = vector.broadcast %get3A_7 : vector<512x1xf32> to vector<512x1664xf32>
    %sub3A_23 = vector.broadcast %get3A_21 : vector<1x1664xf32> to vector<512x1664xf32>
    %sub3A_24 = arith.subf %sub3A_22, %sub3A_23 : vector<512x1664xf32>
    %mul3A = arith.mulf %sub3A_12, %sub3A_12 : vector<512x1664xf32>
    %mul3A_25 = arith.mulf %sub3A_18, %sub3A_18 : vector<512x1664xf32>
    %add3A = arith.addf %mul3A, %mul3A_25 : vector<512x1664xf32>
    %mul3A_26 = arith.mulf %sub3A_24, %sub3A_24 : vector<512x1664xf32>
    %add3A_27 = arith.addf %add3A, %mul3A_26 : vector<512x1664xf32>
    %iota3A = tpu.iota {dimensions = array<i32: 1>} : vector<512x1664xi32>
    %lt3A = arith.constant 1638 : i32
    %lt3A_28 = vector.broadcast %lt3A : i32 to vector<512x1664xi32>
    %lt3A_29 = arith.cmpi slt, %iota3A, %lt3A_28 : vector<512x1664xi32>
    %jit3A = arith.constant 0x7F800000 : f32
    %broadcast_in_dim3A = vector.broadcast %jit3A : f32 to vector<512x1664xf32>
    %select_n3A = arith.select %lt3A_29, %add3A_27, %broadcast_in_dim3A : vector<512x1664xi1>, vector<512x1664xf32>
    %broadcast_in_dim3A_30 = arith.constant 0.000000e+00 : f32
    %broadcast_in_dim3A_31 = vector.broadcast %broadcast_in_dim3A_30 : f32 to vector<512x1664xf32>
    %broadcast_in_dim3A_32 = arith.constant 0.000000e+00 : f32
    %broadcast_in_dim3A_33 = vector.broadcast %broadcast_in_dim3A_32 : f32 to vector<512x1xf32>
    %reduce_min3A = arith.constant dense<0x7F800000> : vector<512xf32>
    %reduce_min3A_34 = vector.multi_reduction <minimumf>, %select_n3A, %reduce_min3A [1] : vector<512x1664xf32> to vector<512xf32>
    %broadcast_in_dim3A_35 = vector.shape_cast %reduce_min3A_34 : vector<512xf32> to vector<512x1xf32>
    %eq3A = vector.broadcast %broadcast_in_dim3A_35 : vector<512x1xf32> to vector<512x1664xf32>
    %eq3A_36 = arith.cmpf oeq, %select_n3A, %eq3A : vector<512x1664xf32>
    %jit3A_37 = arith.constant 2147483647 : i32
    %broadcast_in_dim3A_38 = vector.broadcast %jit3A_37 : i32 to vector<512x1664xi32>
    %select_n3A_39 = arith.select %eq3A_36, %iota3A, %broadcast_in_dim3A_38 : vector<512x1664xi1>, vector<512x1664xi32>
    %reduce_min3A_40 = arith.constant dense<2147483647> : vector<512xi32>
    %reduce_min3A_41 = vector.multi_reduction <minsi>, %select_n3A_39, %reduce_min3A_40 [1] : vector<512x1664xi32> to vector<512xi32>
    %broadcast_in_dim3A_42 = vector.shape_cast %reduce_min3A_41 : vector<512xi32> to vector<512x1xi32>
    %eq3A_43 = vector.broadcast %broadcast_in_dim3A_42 : vector<512x1xi32> to vector<512x1664xi32>
    %eq3A_44 = arith.cmpi eq, %iota3A, %eq3A_43 : vector<512x1664xi32>
    %jit3A_45 = arith.constant 0x7F800000 : f32
    %broadcast_in_dim3A_46 = vector.broadcast %jit3A_45 : f32 to vector<512x1664xf32>
    %select_n3A_47 = arith.select %eq3A_44, %broadcast_in_dim3A_46, %select_n3A : vector<512x1664xi1>, vector<512x1664xf32>
    %max3A = arith.constant 1.000000e-16 : f32
    %max3A_48 = vector.broadcast %max3A : f32 to vector<512x1xf32>
    %max3A_49 = arith.maximumf %broadcast_in_dim3A_35, %max3A_48 : vector<512x1xf32>
    %div3A = arith.constant 1.000000e+00 : f32
    %div3A_50 = vector.broadcast %div3A : f32 to vector<512x1xf32>
    %div3A_51 = arith.divf %div3A_50, %max3A_49 : vector<512x1xf32>
    %add3A_52 = arith.addf %broadcast_in_dim3A_33, %div3A_51 : vector<512x1xf32>
    %reduce_min3A_53 = arith.constant dense<0x7F800000> : vector<512xf32>
    %reduce_min3A_54 = vector.multi_reduction <minimumf>, %select_n3A_47, %reduce_min3A_53 [1] : vector<512x1664xf32> to vector<512xf32>
    %broadcast_in_dim3A_55 = vector.shape_cast %reduce_min3A_54 : vector<512xf32> to vector<512x1xf32>
    %eq3A_56 = vector.broadcast %broadcast_in_dim3A_55 : vector<512x1xf32> to vector<512x1664xf32>
    %eq3A_57 = arith.cmpf oeq, %select_n3A_47, %eq3A_56 : vector<512x1664xf32>
    %jit3A_58 = arith.constant 2147483647 : i32
    %broadcast_in_dim3A_59 = vector.broadcast %jit3A_58 : i32 to vector<512x1664xi32>
    %select_n3A_60 = arith.select %eq3A_57, %iota3A, %broadcast_in_dim3A_59 : vector<512x1664xi1>, vector<512x1664xi32>
    %reduce_min3A_61 = arith.constant dense<2147483647> : vector<512xi32>
    %reduce_min3A_62 = vector.multi_reduction <minsi>, %select_n3A_60, %reduce_min3A_61 [1] : vector<512x1664xi32> to vector<512xi32>
    %broadcast_in_dim3A_63 = vector.shape_cast %reduce_min3A_62 : vector<512xi32> to vector<512x1xi32>
    %eq3A_64 = vector.broadcast %broadcast_in_dim3A_63 : vector<512x1xi32> to vector<512x1664xi32>
    %eq3A_65 = arith.cmpi eq, %iota3A, %eq3A_64 : vector<512x1664xi32>
    %jit3A_66 = arith.constant 0x7F800000 : f32
    %broadcast_in_dim3A_67 = vector.broadcast %jit3A_66 : f32 to vector<512x1664xf32>
    %select_n3A_68 = arith.select %eq3A_65, %broadcast_in_dim3A_67, %select_n3A_47 : vector<512x1664xi1>, vector<512x1664xf32>
    %max3A_69 = arith.constant 1.000000e-16 : f32
    %max3A_70 = vector.broadcast %max3A_69 : f32 to vector<512x1xf32>
    %max3A_71 = arith.maximumf %broadcast_in_dim3A_55, %max3A_70 : vector<512x1xf32>
    %div3A_72 = arith.constant 1.000000e+00 : f32
    %div3A_73 = vector.broadcast %div3A_72 : f32 to vector<512x1xf32>
    %div3A_74 = arith.divf %div3A_73, %max3A_71 : vector<512x1xf32>
    %add3A_75 = arith.addf %add3A_52, %div3A_74 : vector<512x1xf32>
    %reduce_min3A_76 = arith.constant dense<0x7F800000> : vector<512xf32>
    %reduce_min3A_77 = vector.multi_reduction <minimumf>, %select_n3A_68, %reduce_min3A_76 [1] : vector<512x1664xf32> to vector<512xf32>
    %broadcast_in_dim3A_78 = vector.shape_cast %reduce_min3A_77 : vector<512xf32> to vector<512x1xf32>
    %eq3A_79 = vector.broadcast %broadcast_in_dim3A_78 : vector<512x1xf32> to vector<512x1664xf32>
    %eq3A_80 = arith.cmpf oeq, %select_n3A_68, %eq3A_79 : vector<512x1664xf32>
    %jit3A_81 = arith.constant 2147483647 : i32
    %broadcast_in_dim3A_82 = vector.broadcast %jit3A_81 : i32 to vector<512x1664xi32>
    %select_n3A_83 = arith.select %eq3A_80, %iota3A, %broadcast_in_dim3A_82 : vector<512x1664xi1>, vector<512x1664xi32>
    %reduce_min3A_84 = arith.constant dense<2147483647> : vector<512xi32>
    %reduce_min3A_85 = vector.multi_reduction <minsi>, %select_n3A_83, %reduce_min3A_84 [1] : vector<512x1664xi32> to vector<512xi32>
    %broadcast_in_dim3A_86 = vector.shape_cast %reduce_min3A_85 : vector<512xi32> to vector<512x1xi32>
    %eq3A_87 = vector.broadcast %broadcast_in_dim3A_86 : vector<512x1xi32> to vector<512x1664xi32>
    %eq3A_88 = arith.cmpi eq, %iota3A, %eq3A_87 : vector<512x1664xi32>
    %max3A_89 = arith.constant 1.000000e-16 : f32
    %max3A_90 = vector.broadcast %max3A_89 : f32 to vector<512x1xf32>
    %max3A_91 = arith.maximumf %broadcast_in_dim3A_78, %max3A_90 : vector<512x1xf32>
    %div3A_92 = arith.constant 1.000000e+00 : f32
    %div3A_93 = vector.broadcast %div3A_92 : f32 to vector<512x1xf32>
    %div3A_94 = arith.divf %div3A_93, %max3A_91 : vector<512x1xf32>
    %add3A_95 = arith.addf %add3A_75, %div3A_94 : vector<512x1xf32>
    %div3A_96 = arith.divf %div3A_51, %add3A_95 : vector<512x1xf32>
    %jit3A_97 = arith.constant 0.000000e+00 : f32
    %broadcast_in_dim3A_98 = vector.shape_cast %div3A_96 : vector<512x1xf32> to vector<512x1xf32>
    %broadcast_in_dim3A_99 = vector.broadcast %broadcast_in_dim3A_98 : vector<512x1xf32> to vector<512x1664xf32>
    %broadcast_in_dim3A_100 = vector.broadcast %jit3A_97 : f32 to vector<512x1664xf32>
    %select_n3A_101 = arith.select %eq3A_44, %broadcast_in_dim3A_99, %broadcast_in_dim3A_100 : vector<512x1664xi1>, vector<512x1664xf32>
    %add3A_102 = arith.addf %broadcast_in_dim3A_31, %select_n3A_101 : vector<512x1664xf32>
    %div3A_103 = arith.divf %div3A_74, %add3A_95 : vector<512x1xf32>
    %jit3A_104 = arith.constant 0.000000e+00 : f32
    %broadcast_in_dim3A_105 = vector.shape_cast %div3A_103 : vector<512x1xf32> to vector<512x1xf32>
    %broadcast_in_dim3A_106 = vector.broadcast %broadcast_in_dim3A_105 : vector<512x1xf32> to vector<512x1664xf32>
    %broadcast_in_dim3A_107 = vector.broadcast %jit3A_104 : f32 to vector<512x1664xf32>
    %select_n3A_108 = arith.select %eq3A_65, %broadcast_in_dim3A_106, %broadcast_in_dim3A_107 : vector<512x1664xi1>, vector<512x1664xf32>
    %add3A_109 = arith.addf %add3A_102, %select_n3A_108 : vector<512x1664xf32>
    %div3A_110 = arith.divf %div3A_94, %add3A_95 : vector<512x1xf32>
    %jit3A_111 = arith.constant 0.000000e+00 : f32
    %broadcast_in_dim3A_112 = vector.shape_cast %div3A_110 : vector<512x1xf32> to vector<512x1xf32>
    %broadcast_in_dim3A_113 = vector.broadcast %broadcast_in_dim3A_112 : vector<512x1xf32> to vector<512x1664xf32>
    %broadcast_in_dim3A_114 = vector.broadcast %jit3A_111 : f32 to vector<512x1664xf32>
    %select_n3A_115 = arith.select %eq3A_88, %broadcast_in_dim3A_113, %broadcast_in_dim3A_114 : vector<512x1664xi1>, vector<512x1664xf32>
    %add3A_116 = arith.addf %add3A_109, %select_n3A_115 : vector<512x1664xf32>
    %get3A_117 = arith.constant 0 : index
    %get3A_118 = arith.constant 0 : index
    %get3A_119 = vector.load %arg5[%get3A_117, %get3A_118] : memref<1664x128xf32, #tpu.memory_space<vmem>>, vector<1664x128xf32>
    %dot_general3A = arith.constant dense<0.000000e+00> : vector<512x128xf32>
    %dot_general3A_120 = tpu.matmul %add3A_116, %get3A_119, %dot_general3A {dimension_numbers = #tpu.dot_dimension_numbers<[1], [0], [0], [1], [0, 0, 1, 1], [], []>, transpose_lhs_hint = false} : vector<512x1664xf32>, vector<1664x128xf32>, vector<512x128xf32> -> vector<512x128xf32>
    %swap3A = arith.constant 0 : index
    %swap3A_121 = arith.constant 0 : index
    %swap3A_122 = vector.load %arg6[%swap3A, %swap3A_121] : memref<512x128xf32, #tpu.memory_space<vmem>>, vector<512x128xf32>
    tpu.vector_store %arg6[%swap3A, %swap3A_121], %dot_general3A_120 {strides = array<i32>} : memref<512x128xf32, #tpu.memory_space<vmem>>, vector<512x128xf32>,
    return
  }
  func.func @transform_0(%arg0: i32) -> (i32, i32) {
    %c0_i32 = arith.constant 0 : i32
    %c0_i32_0 = arith.constant 0 : i32
    return %arg0, %c0_i32 : i32, i32
  }
  func.func @transform_1(%arg0: i32) -> (i32, i32) {
    %c0_i32 = arith.constant 0 : i32
    %c0_i32_0 = arith.constant 0 : i32
    %c0_i32_1 = arith.constant 0 : i32
    return %c0_i32, %c0_i32_0 : i32, i32
  }
  func.func @transform_2(%arg0: i32) -> (i32, i32) {
    %c0_i32 = arith.constant 0 : i32
    %c0_i32_0 = arith.constant 0 : i32
    %c0_i32_1 = arith.constant 0 : i32
    return %c0_i32, %c0_i32_0 : i32, i32
  }
  func.func @transform_3(%arg0: i32) -> (i32, i32) {
    %c0_i32 = arith.constant 0 : i32
    %c0_i32_0 = arith.constant 0 : i32
    %c0_i32_1 = arith.constant 0 : i32
    return %c0_i32, %c0_i32_0 : i32, i32
  }
  func.func @transform_4(%arg0: i32) -> (i32, i32) {
    %c0_i32 = arith.constant 0 : i32
    %c0_i32_0 = arith.constant 0 : i32
    %c0_i32_1 = arith.constant 0 : i32
    return %c0_i32, %c0_i32_0 : i32, i32
  }
  func.func @transform_5(%arg0: i32) -> (i32, i32) {
    %c0_i32 = arith.constant 0 : i32
    %c0_i32_0 = arith.constant 0 : i32
    return %arg0, %c0_i32 : i32, i32
  }
}

module attributes {stable_mosaic.version = 14 : i64} {
  func.func @_head_body(%arg0: i32, %arg1: memref<1024x136xf32, #tpu.memory_space<vmem>>, %arg2: memref<136x128xf32, #tpu.memory_space<vmem>>, %arg3: memref<128xf32, #tpu.memory_space<vmem>>, %arg4: memref<128x128xf32, #tpu.memory_space<vmem>>, %arg5: memref<128xf32, #tpu.memory_space<vmem>>, %arg6: memref<128x128xf32, #tpu.memory_space<vmem>>, %arg7: memref<128xf32, #tpu.memory_space<vmem>>, %arg8: memref<128x128xf32, #tpu.memory_space<vmem>>, %arg9: memref<128xf32, #tpu.memory_space<vmem>>, %arg10: memref<128x128xf32, #tpu.memory_space<vmem>>, %arg11: memref<128xf32, #tpu.memory_space<vmem>>, %arg12: memref<128x128xf32, #tpu.memory_space<vmem>>, %arg13: memref<128xf32, #tpu.memory_space<vmem>>, %arg14: memref<1024x128xf32, #tpu.memory_space<vmem>>) attributes {dimension_semantics = [#tpu.dimension_semantics<arbitrary>], iteration_bounds = array<i64: 8>, scalar_prefetch = 0 : i64, scratch_operands = 0 : i64, tpu.core_type = #tpu.core_type<tc>, window_params = [{transform_indices = @transform_0, window_bounds = array<i64: 1024, 136>}, {pipeline_mode = #tpu.pipeline_mode<synchronous>, transform_indices = @transform_1, window_bounds = array<i64: 136, 128>}, {pipeline_mode = #tpu.pipeline_mode<synchronous>, transform_indices = @transform_2, window_bounds = array<i64: 128>}, {pipeline_mode = #tpu.pipeline_mode<synchronous>, transform_indices = @transform_3, window_bounds = array<i64: 128, 128>}, {pipeline_mode = #tpu.pipeline_mode<synchronous>, transform_indices = @transform_4, window_bounds = array<i64: 128>}, {pipeline_mode = #tpu.pipeline_mode<synchronous>, transform_indices = @transform_5, window_bounds = array<i64: 128, 128>}, {pipeline_mode = #tpu.pipeline_mode<synchronous>, transform_indices = @transform_6, window_bounds = array<i64: 128>}, {pipeline_mode = #tpu.pipeline_mode<synchronous>, transform_indices = @transform_7, window_bounds = array<i64: 128, 128>}, {pipeline_mode = #tpu.pipeline_mode<synchronous>, transform_indices = @transform_8, window_bounds = array<i64: 128>}, {pipeline_mode = #tpu.pipeline_mode<synchronous>, transform_indices = @transform_9, window_bounds = array<i64: 128, 128>}, {pipeline_mode = #tpu.pipeline_mode<synchronous>, transform_indices = @transform_10, window_bounds = array<i64: 128>}, {pipeline_mode = #tpu.pipeline_mode<synchronous>, transform_indices = @transform_11, window_bounds = array<i64: 128, 128>}, {pipeline_mode = #tpu.pipeline_mode<synchronous>, transform_indices = @transform_12, window_bounds = array<i64: 128>}, {transform_indices = @transform_13, window_bounds = array<i64: 1024, 128>}]} {
    %get3A = arith.constant 0 : index
    %get3A_0 = arith.constant 0 : index
    %get3A_1 = vector.load %arg1[%get3A, %get3A_0] : memref<1024x136xf32, #tpu.memory_space<vmem>>, vector<1024x136xf32>
    %get3A_2 = arith.constant 0 : index
    %get3A_3 = arith.constant 0 : index
    %get3A_4 = vector.load %arg2[%get3A_2, %get3A_3] : memref<136x128xf32, #tpu.memory_space<vmem>>, vector<136x128xf32>
    %dot_general3A = arith.constant dense<0.000000e+00> : vector<1024x128xf32>
    %dot_general3A_5 = tpu.matmul %get3A_1, %get3A_4, %dot_general3A {dimension_numbers = #tpu.dot_dimension_numbers<[1], [0], [0], [1], [0, 0, 1, 1], [], []>, transpose_lhs_hint = false} : vector<1024x136xf32>, vector<136x128xf32>, vector<1024x128xf32> -> vector<1024x128xf32>
    %get3A_6 = arith.constant 0 : index
    %get3A_7 = vector.load %arg3[%get3A_6] : memref<128xf32, #tpu.memory_space<vmem>>, vector<128xf32>
    %broadcast_in_dim3A = vector.shape_cast %get3A_7 : vector<128xf32> to vector<1x128xf32>
    %add3A = vector.broadcast %broadcast_in_dim3A : vector<1x128xf32> to vector<1024x128xf32>
    %add3A_8 = arith.addf %dot_general3A_5, %add3A : vector<1024x128xf32>
    %max3A = arith.constant 0.000000e+00 : f32
    %max3A_9 = vector.broadcast %max3A : f32 to vector<1024x128xf32>
    %max3A_10 = arith.maximumf %add3A_8, %max3A_9 : vector<1024x128xf32>
    %get3A_11 = arith.constant 0 : index
    %get3A_12 = arith.constant 0 : index
    %get3A_13 = vector.load %arg4[%get3A_11, %get3A_12] : memref<128x128xf32, #tpu.memory_space<vmem>>, vector<128x128xf32>
    %dot_general3A_14 = arith.constant dense<0.000000e+00> : vector<1024x128xf32>
    %dot_general3A_15 = tpu.matmul %max3A_10, %get3A_13, %dot_general3A_14 {dimension_numbers = #tpu.dot_dimension_numbers<[1], [0], [0], [1], [0, 0, 1, 1], [], []>, transpose_lhs_hint = false} : vector<1024x128xf32>, vector<128x128xf32>, vector<1024x128xf32> -> vector<1024x128xf32>
    %get3A_16 = arith.constant 0 : index
    %get3A_17 = vector.load %arg5[%get3A_16] : memref<128xf32, #tpu.memory_space<vmem>>, vector<128xf32>
    %broadcast_in_dim3A_18 = vector.shape_cast %get3A_17 : vector<128xf32> to vector<1x128xf32>
    %add3A_19 = vector.broadcast %broadcast_in_dim3A_18 : vector<1x128xf32> to vector<1024x128xf32>
    %add3A_20 = arith.addf %dot_general3A_15, %add3A_19 : vector<1024x128xf32>
    %max3A_21 = arith.constant 0.000000e+00 : f32
    %max3A_22 = vector.broadcast %max3A_21 : f32 to vector<1024x128xf32>
    %max3A_23 = arith.maximumf %add3A_20, %max3A_22 : vector<1024x128xf32>
    %get3A_24 = arith.constant 0 : index
    %get3A_25 = arith.constant 0 : index
    %get3A_26 = vector.load %arg6[%get3A_24, %get3A_25] : memref<128x128xf32, #tpu.memory_space<vmem>>, vector<128x128xf32>
    %dot_general3A_27 = arith.constant dense<0.000000e+00> : vector<1024x128xf32>
    %dot_general3A_28 = tpu.matmul %max3A_23, %get3A_26, %dot_general3A_27 {dimension_numbers = #tpu.dot_dimension_numbers<[1], [0], [0], [1], [0, 0, 1, 1], [], []>, transpose_lhs_hint = false} : vector<1024x128xf32>, vector<128x128xf32>, vector<1024x128xf32> -> vector<1024x128xf32>
    %get3A_29 = arith.constant 0 : index
    %get3A_30 = vector.load %arg7[%get3A_29] : memref<128xf32, #tpu.memory_space<vmem>>, vector<128xf32>
    %broadcast_in_dim3A_31 = vector.shape_cast %get3A_30 : vector<128xf32> to vector<1x128xf32>
    %add3A_32 = vector.broadcast %broadcast_in_dim3A_31 : vector<1x128xf32> to vector<1024x128xf32>
    %add3A_33 = arith.addf %dot_general3A_28, %add3A_32 : vector<1024x128xf32>
    %max3A_34 = arith.constant 0.000000e+00 : f32
    %max3A_35 = vector.broadcast %max3A_34 : f32 to vector<1024x128xf32>
    %max3A_36 = arith.maximumf %add3A_33, %max3A_35 : vector<1024x128xf32>
    %get3A_37 = arith.constant 0 : index
    %get3A_38 = arith.constant 0 : index
    %get3A_39 = vector.load %arg8[%get3A_37, %get3A_38] : memref<128x128xf32, #tpu.memory_space<vmem>>, vector<128x128xf32>
    %dot_general3A_40 = arith.constant dense<0.000000e+00> : vector<1024x128xf32>
    %dot_general3A_41 = tpu.matmul %max3A_36, %get3A_39, %dot_general3A_40 {dimension_numbers = #tpu.dot_dimension_numbers<[1], [0], [0], [1], [0, 0, 1, 1], [], []>, transpose_lhs_hint = false} : vector<1024x128xf32>, vector<128x128xf32>, vector<1024x128xf32> -> vector<1024x128xf32>
    %get3A_42 = arith.constant 0 : index
    %get3A_43 = vector.load %arg9[%get3A_42] : memref<128xf32, #tpu.memory_space<vmem>>, vector<128xf32>
    %broadcast_in_dim3A_44 = vector.shape_cast %get3A_43 : vector<128xf32> to vector<1x128xf32>
    %add3A_45 = vector.broadcast %broadcast_in_dim3A_44 : vector<1x128xf32> to vector<1024x128xf32>
    %add3A_46 = arith.addf %dot_general3A_41, %add3A_45 : vector<1024x128xf32>
    %max3A_47 = arith.constant 0.000000e+00 : f32
    %max3A_48 = vector.broadcast %max3A_47 : f32 to vector<1024x128xf32>
    %max3A_49 = arith.maximumf %add3A_46, %max3A_48 : vector<1024x128xf32>
    %get3A_50 = arith.constant 0 : index
    %get3A_51 = arith.constant 0 : index
    %get3A_52 = vector.load %arg10[%get3A_50, %get3A_51] : memref<128x128xf32, #tpu.memory_space<vmem>>, vector<128x128xf32>
    %dot_general3A_53 = arith.constant dense<0.000000e+00> : vector<1024x128xf32>
    %dot_general3A_54 = tpu.matmul %max3A_49, %get3A_52, %dot_general3A_53 {dimension_numbers = #tpu.dot_dimension_numbers<[1], [0], [0], [1], [0, 0, 1, 1], [], []>, transpose_lhs_hint = false} : vector<1024x128xf32>, vector<128x128xf32>, vector<1024x128xf32> -> vector<1024x128xf32>
    %get3A_55 = arith.constant 0 : index
    %get3A_56 = vector.load %arg11[%get3A_55] : memref<128xf32, #tpu.memory_space<vmem>>, vector<128xf32>
    %broadcast_in_dim3A_57 = vector.shape_cast %get3A_56 : vector<128xf32> to vector<1x128xf32>
    %add3A_58 = vector.broadcast %broadcast_in_dim3A_57 : vector<1x128xf32> to vector<1024x128xf32>
    %add3A_59 = arith.addf %dot_general3A_54, %add3A_58 : vector<1024x128xf32>
    %max3A_60 = arith.constant 0.000000e+00 : f32
    %max3A_61 = vector.broadcast %max3A_60 : f32 to vector<1024x128xf32>
    %max3A_62 = arith.maximumf %add3A_59, %max3A_61 : vector<1024x128xf32>
    %get3A_63 = arith.constant 0 : index
    %get3A_64 = arith.constant 0 : index
    %get3A_65 = vector.load %arg12[%get3A_63, %get3A_64] : memref<128x128xf32, #tpu.memory_space<vmem>>, vector<128x128xf32>
    %dot_general3A_66 = arith.constant dense<0.000000e+00> : vector<1024x128xf32>
    %dot_general3A_67 = tpu.matmul %max3A_62, %get3A_65, %dot_general3A_66 {dimension_numbers = #tpu.dot_dimension_numbers<[1], [0], [0], [1], [0, 0, 1, 1], [], []>, transpose_lhs_hint = false} : vector<1024x128xf32>, vector<128x128xf32>, vector<1024x128xf32> -> vector<1024x128xf32>
    %get3A_68 = arith.constant 0 : index
    %get3A_69 = vector.load %arg13[%get3A_68] : memref<128xf32, #tpu.memory_space<vmem>>, vector<128xf32>
    %broadcast_in_dim3A_70 = vector.shape_cast %get3A_69 : vector<128xf32> to vector<1x128xf32>
    %add3A_71 = vector.broadcast %broadcast_in_dim3A_70 : vector<1x128xf32> to vector<1024x128xf32>
    %add3A_72 = arith.addf %dot_general3A_67, %add3A_71 : vector<1024x128xf32>
    %swap3A = arith.constant 0 : index
    %swap3A_73 = arith.constant 0 : index
    %swap3A_74 = vector.load %arg14[%swap3A, %swap3A_73] : memref<1024x128xf32, #tpu.memory_space<vmem>>, vector<1024x128xf32>
    tpu.vector_store %arg14[%swap3A, %swap3A_73], %add3A_72 {strides = array<i32>} : memref<1024x128xf32, #tpu.memory_space<vmem>>, vector<1024x128xf32>,
    return
  }
  func.func @transform_0(%arg0: i32) -> (i32, i32) {
    %c0_i32 = arith.constant 0 : i32
    %c0_i32_0 = arith.constant 0 : i32
    return %arg0, %c0_i32 : i32, i32
  }
  func.func @transform_1(%arg0: i32) -> (i32, i32) {
    %c0_i32 = arith.constant 0 : i32
    %c0_i32_0 = arith.constant 0 : i32
    %c0_i32_1 = arith.constant 0 : i32
    return %c0_i32, %c0_i32_0 : i32, i32
  }
  func.func @transform_2(%arg0: i32) -> i32 {
    %c0_i32 = arith.constant 0 : i32
    %c0_i32_0 = arith.constant 0 : i32
    return %c0_i32 : i32
  }
  func.func @transform_3(%arg0: i32) -> (i32, i32) {
    %c0_i32 = arith.constant 0 : i32
    %c0_i32_0 = arith.constant 0 : i32
    %c0_i32_1 = arith.constant 0 : i32
    return %c0_i32, %c0_i32_0 : i32, i32
  }
  func.func @transform_4(%arg0: i32) -> i32 {
    %c0_i32 = arith.constant 0 : i32
    %c0_i32_0 = arith.constant 0 : i32
    return %c0_i32 : i32
  }
  func.func @transform_5(%arg0: i32) -> (i32, i32) {
    %c0_i32 = arith.constant 0 : i32
    %c0_i32_0 = arith.constant 0 : i32
    %c0_i32_1 = arith.constant 0 : i32
    return %c0_i32, %c0_i32_0 : i32, i32
  }
  func.func @transform_6(%arg0: i32) -> i32 {
    %c0_i32 = arith.constant 0 : i32
    %c0_i32_0 = arith.constant 0 : i32
    return %c0_i32 : i32
  }
  func.func @transform_7(%arg0: i32) -> (i32, i32) {
    %c0_i32 = arith.constant 0 : i32
    %c0_i32_0 = arith.constant 0 : i32
    %c0_i32_1 = arith.constant 0 : i32
    return %c0_i32, %c0_i32_0 : i32, i32
  }
  func.func @transform_8(%arg0: i32) -> i32 {
    %c0_i32 = arith.constant 0 : i32
    %c0_i32_0 = arith.constant 0 : i32
    return %c0_i32 : i32
  }
  func.func @transform_9(%arg0: i32) -> (i32, i32) {
    %c0_i32 = arith.constant 0 : i32
    %c0_i32_0 = arith.constant 0 : i32
    %c0_i32_1 = arith.constant 0 : i32
    return %c0_i32, %c0_i32_0 : i32, i32
  }
  func.func @transform_10(%arg0: i32) -> i32 {
    %c0_i32 = arith.constant 0 : i32
    %c0_i32_0 = arith.constant 0 : i32
    return %c0_i32 : i32
  }
  func.func @transform_11(%arg0: i32) -> (i32, i32) {
    %c0_i32 = arith.constant 0 : i32
    %c0_i32_0 = arith.constant 0 : i32
    %c0_i32_1 = arith.constant 0 : i32
    return %c0_i32, %c0_i32_0 : i32, i32
  }
  func.func @transform_12(%arg0: i32) -> i32 {
    %c0_i32 = arith.constant 0 : i32
    %c0_i32_0 = arith.constant 0 : i32
    return %c0_i32 : i32
  }
  func.func @transform_13(%arg0: i32) -> (i32, i32) {
    %c0_i32 = arith.constant 0 : i32
    %c0_i32_0 = arith.constant 0 : i32
    return %arg0, %c0_i32 : i32, i32
  }
}

</mosaic_0001>

<sc_bundles>
// kernel: kernel.11.cloned.1.call-start
scs
__scs_entry_jumppad:
0x0: {  	(pc) =	sbr.rel $0x88, $3  }
0x1: {  	(tag) =	ssettag $0x0;
	lr =	simm.s32 $0x1  }
0x2: {  	[smem:$0x3F79] =	sst lr;
	_ =	strace $0xD0000000  }
0x3: {  	_ = 	snop  }
0x4: {  	_ = 	snop  }
0x5: {  	_ = 	snop  }
0x6: {  	_ = 	snop  }
0x7: {  	_ = 	snop  }
__scs_overlays_trampoline_lowered:
0x8: {  	[smem:$0x3F88] =	sst s0  }
0x9: {  	[smem:$0x3F89] =	sst s1  }
0xa: {  	[smem:$0x3F8A] =	sst s2  }
0xb: {  	[smem:$0x3F8B] =	sst s3  }
0xc: {  	[smem:$0x3F8C] =	sst s4  }
0xd: {  	[smem:$0x3F8D] =	sst s5  }
0xe: {  	[smem:$0x3F8E] =	sst s6  }
0xf: {  	[smem:$0x3F8F] =	sst s7  }
0x10: {  	[smem:$0x3F90] =	sst s8  }
0x11: {  	[smem:$0x3F91] =	sst s9;
	s0 =	simm.s32 @!p0 $0x0  }
0x12: {  	s1 =	sld [smem:$0x3F77];
	s0 =	simm.s32 @p0 $0x1  }
0x13: {  	[smem:$0x3F92] =	sst s0;
	s0 =	simm.s32 @!p1 $0x0  }
0x14: {  	s2 =	sld [smem:$0x3F76];
	s0 =	simm.s32 @p1 $0x1  }
0x15: {  	[smem:$0x3F93] =	sst s0;
	s0 =	simm.s32 @!p2 $0x0  }
0x16: {  	s3 =	sld [smem:$0x3FDB];
	s0 =	simm.s32 @p2 $0x1  }
0x17: {  	s4 =	simm.s32 $0x1BF5;
	[smem:$0x3F95] =	sst s0  }
0x18: {  	s0 =	sld [smem:$0x3F78];
	_ =	swait.ge [sflag:s4], $0x0  }
0x19: {  	s7 =	sld [smem:$0x3F79]  }
0x1a: {  	s8 =	sadd.s32 $0xFFFFE003, lr  }
0x1b: {  	s9 =	sadd.s32 $0xFFFFFEF7, lr;
	s5 =	simm.s32 $0xFFFFFFFF;
	p2 =	slt.u32 s8, $0xFFFFF086  }
0x1c: {  	p1 =	slt.u32 s9, $0xF7A;
	s5 =	simm.s32 @!p2 $0x0  }
0x1d: {  	s5 =	simm.s32 @p1 $0x1;
	p0 =	seq.s32 s7, s2  }
0x1e: {  	s7 =	smul.u32 @!p0 $0xF7A, s2;
	p2 =	seq.s32 @!p0 s5, $0x0  }
0x1f: {  	s9 =	smul.u32 $0xF7A, s1;
	s8 =	simm.s32 @!p0 $0x1BF5;
	p2 =	por !p2, p0  }
0x20: {  	[sflag:s8] =	ssyncset.s32 @!p0 $0xFFFFF086;
	s6 =	sadd.s32 @!p0 s3, s7;
	s7 =	simm.s32 @!p0 $0x108  }
0x21: {  	s3 =	sadd.s32 s3, s9;
	s6 =	sadd.s32 @!p0 $0x88, s6;
	s7 =	simm.s32 @p2 $0x1082  }
0x22: {  	[simem:s7], [sflag:s8] =	dma.local @!p0 [hbm:s6], $0xF7A  }
0x23: {  	s9 =	sor.u32 $0xD0000000, s2;
	s6 =	simm.s32 $0x108;
	_ =	swait.ge @!p0 [sflag:s8], $0x0  }
0x24: {  	s3 =	sadd.s32 $0x88, s3;
	s6 =	simm.s32 @!p1 $0x1082;
	[sflag:s4] =	ssyncset.s32 $0xFFFFF086  }
0x25: {  	[simem:s6], [sflag:s4] =	dma.local [hbm:s3], $0xF7A  }
0x26: {  	[smem:$0x3F79] =	sst s1;
	(tag) =	ssettag s2;
	_ =	strace s9  }
0x27: {  	s1 =	sld [smem:$0x3F89]  }
0x28: {  	s2 =	sld [smem:$0x3F8A]  }
0x29: {  	s4 =	sld [smem:$0x3F8C]  }
0x2a: {  	p0 =	seq.s32 s5, $0x0;
	s5 =	sld [smem:$0x3F8D]  }
0x2b: {  	s6 =	sld [smem:$0x3F8E]  }
0x2c: {  	s7 =	sld [smem:$0x3F8F]  }
0x2d: {  	s3 =	simm.s32 $0x108;
	s8 =	sld [smem:$0x3F90]  }
0x2e: {  	s3 =	simm.s32 @!p0 $0x1082;
	s9 =	sld [smem:$0x3F91]  }
0x2f: {  	lr =	sadd.s32 s0, s3;
	s0 =	sld [smem:$0x3F88]  }
0x30: {  	s3 =	sld [smem:$0x3F8B]  }
0x31: {  	[smem:$0x3F94] =	sst s10  }
0x32: {  	s10 =	sld [smem:$0x3F92];
	_ =	sdelay $0x3  }
0x33: {  	p0 =	seq.s32 s10, $0x1;
	s10 =	sld [smem:$0x3F94];
	_ =	sdelay $0x3  }
0x34: {  	[smem:$0x3F94] =	sst s10  }
0x35: {  	s10 =	sld [smem:$0x3F93];
	_ =	sdelay $0x3  }
0x36: {  	p1 =	seq.s32 s10, $0x1;
	s10 =	sld [smem:$0x3F94];
	_ =	sdelay $0x3  }
0x37: {  	[smem:$0x3F94] =	sst s10  }
0x38: {  	s10 =	sld [smem:$0x3F95]  }
0x39: {  	_ = 	snop;
	(pc) =	sbr.ind lr, $3  }
0x3a: {  	_ = 	snop  }
0x3b: {  	_ = 	snop  }
0x3c: {  	p2 =	seq.s32 s10, $0x1;
	s10 =	sld [smem:$0x3F94]  }
0x3d: {  	_ =	shalt  }
0x3e: {  	_ =	shalt  }
0x3f: {  	_ =	shalt  }
0x40: {  	_ =	shalt  }
0x41: {  	_ =	shalt  }
0x42: {  	_ =	shalt  }
0x43: {  	_ =	shalt  }
0x44: {  	_ =	shalt  }
0x45: {  	_ =	shalt  }
0x46: {  	_ =	shalt  }
0x47: {  	_ =	shalt  }
0x48: {  	_ =	shalt  }
0x49: {  	_ =	shalt  }
0x4a: {  	_ =	shalt  }
0x4b: {  	_ =	shalt  }
0x4c: {  	_ =	shalt  }
0x4d: {  	_ =	shalt  }
0x4e: {  	_ =	shalt  }
0x4f: {  	_ =	shalt  }
0x50: {  	_ =	shalt  }
0x51: {  	_ =	shalt  }
0x52: {  	_ =	shalt  }
0x53: {  	_ =	shalt  }
0x54: {  	_ =	shalt  }
0x55: {  	_ =	shalt  }
0x56: {  	_ =	shalt  }
0x57: {  	_ =	shalt  }
0x58: {  	_ =	shalt  }
0x59: {  	_ =	shalt  }
0x5a: {  	_ =	shalt  }
0x5b: {  	_ =	shalt  }
0x5c: {  	_ =	shalt  }
0x5d: {  	_ =	shalt  }
0x5e: {  	_ =	shalt  }
0x5f: {  	_ =	shalt  }
0x60: {  	_ =	shalt  }
0x61: {  	_ =	shalt  }
0x62: {  	_ =	shalt  }
0x63: {  	_ =	shalt  }
0x64: {  	_ =	shalt  }
0x65: {  	_ =	shalt  }
0x66: {  	_ =	shalt  }
0x67: {  	_ =	shalt  }
0x68: {  	_ =	shalt  }
0x69: {  	_ =	shalt  }
0x6a: {  	_ =	shalt  }
0x6b: {  	_ =	shalt  }
0x6c: {  	_ =	shalt  }
0x6d: {  	_ =	shalt  }
0x6e: {  	_ =	shalt  }
0x6f: {  	_ =	shalt  }
0x70: {  	_ =	shalt  }
0x71: {  	_ =	shalt  }
0x72: {  	_ =	shalt  }
0x73: {  	_ =	shalt  }
0x74: {  	_ =	shalt  }
0x75: {  	_ =	shalt  }
0x76: {  	_ =	shalt  }
0x77: {  	_ =	shalt  }
0x78: {  	_ =	shalt  }
0x79: {  	_ =	shalt  }
0x7a: {  	_ =	shalt  }
0x7b: {  	_ =	shalt  }
0x7c: {  	_ =	shalt  }
0x7d: {  	_ =	shalt  }
0x7e: {  	_ =	shalt  }
0x7f: {  	_ =	shalt  }
0x80: {  	_ =	shalt  }
0x81: {  	_ =	shalt  }
0x82: {  	_ =	shalt  }
0x83: {  	_ =	shalt  }
0x84: {  	_ =	shalt  }
0x85: {  	_ =	shalt  }
0x86: {  	_ =	shalt  }
0x87: {  	_ =	shalt  }
.Lfunc_end0:
.L_simem_size_0:
called_computation_lowered:
.L_overlay_start_0:
0x88: {  	s2 =	sld [smem:$0x3FD9]  }
0x89: {  	s3 =	sld [smem:$0x3FFE];
	_ =	sdelay $0x1  }
0x8a: {  	s1 =	srdreg.scid  }
0x8b: {  	s0 =	sand.u32 $0x1, s1  }
0x8c: {  	s17 =	sshll.u32 s0, $0xA;
	s2 =	sadd.s32 s3, s2  }
0x8d: {  	s2 =	sadd.s32 s2, s17  }
0x8e: {  	[smem:$0x3FA0] =	sst s2  }
0x8f: {  	_ = 	snop  }
0x90: {  	s2 =	sld [smem:$0x3FD0];
	(tm) =	ssettm $0x1  }
0x91: {  	s18 =	sld [smem:$0x3FFB];
	_ =	sdelay $0x3  }
0x92: {  	_ =	strace s18  }
0x93: {  	s3 =	sld [smem:$0x3FFC];
	_ =	sdelay $0x3  }
0x94: {  	_ =	strace s3  }
0x95: {  	s3 =	sld [smem:$0x3FFD];
	_ =	sdelay $0x3  }
0x96: {  	_ =	strace s3  }
0x97: {  	_ =	strace $0x8FFFFFFF  }
0x98: {  	s19 =	sld [smem:$0x3FDB];
	_ =	sdelay $0x1  }
0x99: {  	s4 =	simm.s32 $_scs_section_size  }
0x9a: {  	s5 =	simm.s32 $_size__tile_overlayer_lowered;
	s6 =	simm.s32 $_tile_overlayer_lowered  }
0x9b: {  	s22 =	simm.s32 $0x1BFF;
	s21 =	sshll.u32 s6, $0x1;
	s3 =	sadd.s32 s4, s19  }
0x9c: {  	s7 =	simm.s32 $0x0;
	s20 =	sshll.u32 s5, $0x1;
	s5 =	sadd.s32 s21, s3  }
0x9d: {  	[timem:s7], [sflag:s22] =	dma.local [hbm:s5], s20  }
0x9e: {  	_ =	swait.ge [sflag:s22], s20  }
0x9f: {  	s4 =	ssub.s32 $0x0, s20;
	[sflag:s22] =	ssyncset.done $0x0  }
0xa0: {  	[sflag:s22] =	ssyncadd.s32 s4;
	_ =	sdelay $0x1  }
0xa1: {  	s23 =	simm.s32 $0x1B8B  }
0xa2: {  	_ =	swait.ge [sflag:s23], $0x1  }
0xa3: {  	[sflag:s23] =	ssyncset.done $0x0  }
0xa4: {  	s25 =	simm.s32 $0x1B8E;
	s24 =	sld [smem:$0x3FFE];
	[sflag:s23] =	ssyncadd.s32 $0xFFFFFFFF  }
0xa5: {  	s26 =	simm.s32 $execute0_lowered;
	[smem:$0x3FD2] =	sst s25  }
0xa6: {  	s5 =	sshll.u32 s26, $0x1;
	_ =	strace $0x80000046;
	[dreg:$0x1] =	wrdreg $0xFFFFFFFF  }
0xa7: {  	s28 =	simm.s32 $_size_execute0_lowered;
	s3 =	sadd.s32 s3, s5;
	[dreg:$0x0] =	wrdreg $0x0  }
0xa8: {  	s5 =	sshll.u32 s28, $0x1;
	[dreg:$0x2] =	wrdreg s3  }
0xa9: {  	[dreg:$0x3] =	wrdreg s5  }
0xaa: {  	[dreg:$0x4] =	wrdreg $0xC0  }
0xab: {  	_ =	task [dreg:s7], $0x5FFFF  }
0xac: {  	[dreg:$0x1] =	wrdreg $0xFFFFFFFF  }
0xad: {  	[dreg:$0x0] =	wrdreg $0x60  }
0xae: {  	[dreg:$0x2] =	wrdreg s24  }
0xaf: {  	[dreg:$0x3] =	wrdreg s2  }
0xb0: {  	[dreg:$0x4] =	wrdreg $0x9  }
0xb1: {  	_ =	task.clear_ibuf [dreg:s7], $0x5FFFF;
	_ =	strace $0x90000046  }
0xb2: {  	s29 =	simm.s32 $0x9;
	_ =	strace $0x80000048  }
0xb3: {  	_ =	swait.ge [sflag:s29], $0x1  }
0xb4: {  	[sflag:s29] =	ssyncadd.s32 $0xFFFFFFFF  }
0xb5: {  	_ =	strace $0x90000048  }
0xb6: {  	_ =	sfence  }
0xb7: {  	s30 =	sld [smem:$0x0];
	_ =	sdelay $0x2  }
0xb8: {  	s31 =	sshll.u32 s1, $0xD;
	s1 =	sshrl.u32 s1, $0x2  }
0xb9: {  	s3 =	sand.u32 $0x4000, s31;
	s1 =	sadd.s32 s1, s30  }
0xba: {  	s0 =	sor.u32 s3, s0;
	s1 =	sshll.u32 s1, $0x11  }
0xbb: {  	s0 =	sor.u32 s1, s0  }
0xbc: {  	s0 =	sadd.s32 $0x8F2B, s0  }
0xbd: {  	[sflag:s0] =	ssyncadd.remote.s32 $0x1  }
0xbe: {  	_ =	sfence.sel $0xFFFF  }
0xbf: {  	[dreg:$0x0] =	wrdreg $0xFFFFFFFF;
	(pc) =	sbr.abs _section_cstart, $3  }
0xc0: {  	[dreg:$0x1] =	wrdreg $0xFFFFFFFF  }
0xc1: {  	_ =	task.clear_ibuf [dreg:s7], $0x2FFFF;
	_ =	strace $0x9FFFFFFF  }
0xc2: {  	(tm) =	ssettm $0x7FFFFFFF  }
0xc3: {  	_ =	shalt  }
tec
execute0_lowered:
.L_overlay_start_1:
0x0: {  	(tag) =	ssettag $0x1  }
0x1: {  	s4 =	rddreg [dreg:$0x0]  }
0x2: {  	s6 =	rddreg [dreg:$0x1]  }
0x3: {  	s0 =	rddreg [dreg:$0x2]  }
0x4: {  	s3 =	srdreg.scid;
	s1 =	stileid.u32  }
0x5: {  	s2 =	simm.s32 $0x0;
	s10 =	simm.s32 $0x80;
	s11 =	simm.s32 $0x400  }
0x6: {  	s12 =	simm.s32 $0x2000;
	s13 =	simm.s32 $0x0;
	s3 =	sand.u32 $0x1, s3  }
0x7: {  	s5 =	sshll.u32 s1, $0x1;
	[smem:$0x7FF] =	sst s2;
	s7 =	ssub.s32 $0x2, s3  }
0x8: {  	s5 =	sor.u32 s3, s5;
	_ =	strace $0x80000047;
	s3 =	sadd.s32 $0xBE00, s4  }
0x9: {  	s4 =	sadd.s32 $0x1CBE00, s4;
	s8 =	sshrl.u32 s7, $0x1;
	s9 =	smul.u32 $0x70, s5  }
0xa: {  	s5 =	smul.u32 $0x38, s5;
	s7 =	ssub.s32 s7, s8;
	s8 =	simm.s32 $0x4080  }
0xb: {  	v0 =	vimm.s32 $0x0;
	v1 =	vlaneseq.u32;
	s6 =	sadd.s32 s6, s9;
	s7 =	smax.u32 s7, $0x1;
	s9 =	simm.s32 $0x1  }
.LBB2_1:
0xc: {  	[tilespmem:s8], [sflag:$0x1] =	stream.linear.gather [hbm4b:s6+s2], $0x380, $0x38;
	[tilespmem:$0x4400] =	vst v63  }
0xd: {  	_ =	swait.ge [sflag:s9], $0x380  }
0xe: {  	[sflag:s9] =	ssyncset.done $0x0  }
0xf: {  	s14 =	simm.s32 $0x0;
	[sflag:s9] =	ssyncadd.s32 $0xFFFFFC80  }
.LBB2_2:
0x10: {  	s15 =	sadd.s32 s5, s14  }
0x11: {  	s16 =	sshll.u32 s14, $0x7;
	s15 =	sshrl.u32 s15, $0x3  }
0x12: {  	s16 =	sand.u32 $0x380, s16;
	s17 =	sshll.u32 s15, $0x10  }
0x13: {  	s17 =	sor.u32 s16, s17  }
0x14: {  	s17 =	sshrl.u32 s17, $0x3  }
0x15: {  	s18 =	simm.s32 $0x0;
	s17 =	sadd.s32 s3, s17  }
0x16: {  	[tilespmem:s18], [sflag:$0x1] =	stream.strided.gather [hbm4b:s17+s10], $0x2000, s11, s10, $0x38;
	[tilespmem:$0x4400] =	vst v63  }
0x17: {  	_ =	swait.ge [sflag:s9], $0x2000  }
0x18: {  	[sflag:s9] =	ssyncset.done $0x0  }
0x19: {  	v3 =	vimm.s32 $0x0;
	[sflag:s9] =	ssyncadd.s32 $0xFFFFE000  }
0x1a: {  	[tilespmem:$0x2000] =	vst v3  }
0x1b: {  	[tilespmem:$0x2010] =	vst v3  }
0x1c: {  	[tilespmem:$0x2020] =	vst v3  }
0x1d: {  	[tilespmem:$0x2030] =	vst v3  }
0x1e: {  	[tilespmem:$0x2040] =	vst v3  }
0x1f: {  	[tilespmem:$0x2050] =	vst v3  }
0x20: {  	s29 =	sshll.u32 s14, $0x4;
	[tilespmem:$0x2060] =	vst v3  }
0x21: {  	s17 =	sand.u32 $0x3FFFFFF0, s29;
	[tilespmem:$0x2070] =	vst v3  }
0x22: {  	v2 =	vld [tilespmem:s17+$0x4080];
	s17 =	simm.s32 $0x20  }
0x23: {  	v4 =	vld [tilespmem:s17+$0xFFFFFFE0];
	_ =	sdelay $0x1  }
0x24: {  	v5 =	vld [tilespmem:s17+$0xFFFFFFF0];
	_ =	sdelay $0x1  }
0x25: {  	v6 =	vld [tilespmem:s17+$0x0]  }
0x26: {  	vm3 =	vle.f32 v4, v2  }
0x27: {  	v4 =	vsel vm3, $0x1, v0  }
0x28: {  	vm2 =	vle.f32 v5, v2;
	v5 =	vld [tilespmem:s17+$0x10];
	(xrf0) =	vadd.scan.msk.s32 $0xffff, v4  }
0x29: {  	v7 =	vsel vm2, $0x1, v0  }
0x2a: {  	vm1 =	vle.f32 v6, v2;
	(xrf0) =	vadd.scan.msk.s32 $0xffff, v7  }
0x2b: {  	v4 =	vsel vm1, $0x1, v0  }
0x2c: {  	(xrf0) =	vadd.scan.msk.s32 $0xffff, v4;
	v4 =	vmpcnt.ones.xlane vm3  }
0x2d: {  	vm0 =	vle.f32 v5, v2  }
0x2e: {  	v6 =	vsel vm0, $0x1, v0;
	v7, _, _ =	vpop (xrf0)  }
0x2f: {  	v5 =	vmpcnt.ones.xlane vm2;
	(xrf0) =	vadd.scan.msk.s32 $0xffff, v6;
	v6 =	vadd.s32 v7, v3  }
0x30: {  	v3 =	vadd.s32 v3, v4;
	v4, _, _ =	vpop (xrf0);
	v6 =	vadd.s32 $0xFFFFFFFF, v6  }
0x31: {  	v4 =	vadd.s32 v4, v3  }
0x32: {  	v4 =	vadd.s32 $0xFFFFFFFF, v4  }
0x33: {  	v7 =	vmpcnt.ones.xlane vm1;
	v3 =	vadd.s32 v3, v5;
	v5, _, _ =	vpop (xrf0)  }
0x34: {  	v8 =	vor.u32 s18, v1;
	v5 =	vadd.s32 v5, v3  }
0x35: {  	s19 =	simm.s32 $0x10;
	v3 =	vadd.s32 v3, v7;
	v5 =	vadd.s32 $0xFFFFFFFF, v5;
	[tilespmem:v6+s12+$0x0] =	vst.idx.msk vm3, v8;
	v6, _, _ =	vpop (xrf0)  }
0x36: {  	v62 =	vor.u32 s19, v1;
	v6 =	vadd.s32 v6, v3  }
0x37: {  	[tilespmem:v4+s12+$0x0] =	vst.idx.msk vm2, v62;
	v4 =	vadd.s32 $0xFFFFFFFF, v6  }
0x38: {  	s30 =	simm.s32 $0x20;
	v7 =	vmpcnt.ones.xlane vm0  }
0x39: {  	s31 =	simm.s32 $0x30;
	v63 =	vor.u32 s30, v1  }
0x3a: {  	s18 =	simm.s32 $0x40;
	v3 =	vadd.s32 v3, v7;
	[tilespmem:v5+s12+$0x0] =	vst.idx.msk vm1, v63;
	v5 =	vor.u32 s31, v1  }
.LBB2_3:
0x3b: {  	p0 =	sne.s32 s18, $0x1FC0  }
0x3c: {  	[tilespmem:v4+s12+$0x0] =	vst.idx.msk vm0, v5;
	s17 =	sadd.s32 $0x40, s17;
	s19 =	smov.u32 s18;
	s18 =	sadd.s32 $0x40, s18  }
0x3d: {  	v4 =	vld [tilespmem:s17+$0xFFFFFFE0]  }
0x3e: {  	v5 =	vld [tilespmem:s17+$0xFFFFFFF0]  }
0x3f: {  	v6 =	vld [tilespmem:s17+$0x0]  }
0x40: {  	v7 =	vld [tilespmem:s17+$0x10];
	_ =	sdelay $0x1  }
0x41: {  	vm1 =	vle.f32 v4, v2  }
0x42: {  	v4 =	vsel vm1, $0x1, v0;
	v8 =	vmpcnt.ones.xlane vm1;
	vm2 =	vle.f32 v5, v2  }
0x43: {  	v5 =	vsel vm2, $0x1, v0;
	v9 =	vmpcnt.ones.xlane vm2;
	vm3 =	vle.f32 v6, v2;
	(xrf0) =	vadd.scan.msk.s32 $0xffff, v4  }
0x44: {  	v4 =	vsel vm3, $0x1, v0;
	v6 =	vmpcnt.ones.xlane vm3;
	vm0 =	vle.f32 v7, v2;
	(xrf0) =	vadd.scan.msk.s32 $0xffff, v5  }
0x45: {  	v5 =	vsel vm0, $0x1, v0;
	(xrf0) =	vadd.scan.msk.s32 $0xffff, v4  }
0x46: {  	(xrf0) =	vadd.scan.msk.s32 $0xffff, v5;
	_ =	sdelay $0x2  }
0x47: {  	v4, _, _ =	vpop (xrf0)  }
0x48: {  	v5 =	vmpcnt.ones.xlane vm0;
	v4 =	vadd.s32 v4, v3;
	v3 =	vadd.s32 v3, v8;
	v7, _, _ =	vpop (xrf0)  }
0x49: {  	v8 =	vadd.s32 $0xFFFFFFFF, v4;
	v4 =	vadd.s32 v7, v3;
	v3 =	vadd.s32 v3, v9;
	v7, _, _ =	vpop (xrf0)  }
0x4a: {  	v9 =	vadd.s32 $0xFFFFFFFF, v4;
	v4 =	vadd.s32 v7, v3;
	v3 =	vadd.s32 v3, v6;
	v6, _, _ =	vpop (xrf0)  }
0x4b: {  	v7 =	vadd.s32 $0xFFFFFFFF, v4;
	v4 =	vadd.s32 v6, v3;
	v3 =	vadd.s32 v3, v5  }
.Ltmp0:
0x4c: {  	v4 =	vadd.s32 $0xFFFFFFFF, v4;
	(pc) =	sbr.rel @p0 .LBB2_3-.Ltmp0, $4  }
0x4d: {  	s20 =	sadd.s32 $0x10, s19;
	v5 =	vor.u32 s19, v1  }
0x4e: {  	s21 =	sadd.s32 $0x20, s19;
	[tilespmem:v8+s12+$0x0] =	vst.idx.msk vm1, v5;
	v5 =	vor.u32 s20, v1  }
0x4f: {  	s19 =	sadd.s32 $0x30, s19;
	[tilespmem:v9+s12+$0x0] =	vst.idx.msk vm2, v5;
	v5 =	vor.u32 s21, v1  }
0x50: {  	[tilespmem:v7+s12+$0x0] =	vst.idx.msk vm3, v5;
	v5 =	vor.u32 s19, v1  }
0x51: {  	_ =	sdelay $0x1  }
0x52: {  	s15 =	sshll.u32 s15, $0xA  }
0x53: {  	s14 =	sadd.s32 $0x1, s14;
	s15 =	sor.u32 s16, s15  }
0x54: {  	p0 =	sne.s32 s14, $0x38;
	s15 =	sshrl.u32 s15, $0x3  }
.Ltmp1:
0x55: {  	[tilespmem:v4+s12+$0x0] =	vst.idx.msk vm0, v5;
	s15 =	sadd.s32 s4, s15;
	(pc) =	sbr.rel @p0 .LBB2_2-.Ltmp1, $4  }
0x56: {  	[hbm4b:s15+s2] =	stream.linear.scatter [tilespmem:s12], [sflag:$0x1], $0x80, $0x38;
	[tilespmem:$0x4400] =	vst v63  }
0x57: {  	_ =	swait.ge [sflag:s9], $0x80  }
0x58: {  	[sflag:s9] =	ssyncset.done $0x0  }
0x59: {  	[sflag:s9] =	ssyncadd.s32 $0xFFFFFF80  }
0x5a: {  	s13 =	sadd.s32 $0x1, s13  }
0x5b: {  	p0 =	sne.s32 s13, s7  }
.Ltmp2:
0x5c: {  	_ = 	snop;
	(pc) =	sbr.rel @p0 .LBB2_1-.Ltmp2, $1  }
0x5d: {  	_ =	sdelay $0x3  }
0x5e: {  	_ =	sfence.sel $0x180000  }
0x5f: {  	[bflag:$0x0] =	sbarrier.arrive $0xFFFF  }
0x60: {  	p0 =	sne.s32 s1, $0x0;
	_ =	strace $0x90000047  }
0x61: {  	s0 =	sadd.s32 @!p0 $0x100000, s0;
	[bflag:$0x2] =	sbarrier.arrive $0xFFFF  }
0x62: {  	[sflag:s0] =	ssyncadd.tile.s32 @!p0 $0x1;
	_ =	shalt  }
.Lfunc_end2:
_tile_overlayer_lowered:
.L_overlay_start_2:
0x63: {  	(tag) =	ssettag $0x2  }
0x64: {  	s0 =	rddreg [dreg:$0x0];
	s2 =	stileid.u32  }
0x65: {  	s1 =	rddreg [dreg:$0x1];
	p0 =	sne.s32 s2, $0x0  }
0x66: {  	s3 =	rddreg [dreg:$0x2];
	[bflag:$0x3] =	sbarrier.arrive $0xFFFF;
	s2 =	simm.s32 @!p0 $0x1C01  }
0x67: {  	[timem:s3], [sflag:s2] =	dma.local @!p0 [hbm:s0], s1  }
0x68: {  	s0 =	simm.s32 @!p0 $0x1  }
0x69: {  	_ =	swait.ge @!p0 [sflag:s0], s1  }
0x6a: {  	s1 =	ssub.s32 @!p0 $0x0, s1;
	[sflag:s0] =	ssyncset.done @!p0 $0x0  }
0x6b: {  	[sflag:s0] =	ssyncadd.s32 @!p0 s1  }
0x6c: {  	[bflag:$0x3] =	sbarrier.arrive $0xFFFF  }
0x6d: {  	_ =	shalt  }

// kernel: kernel.14.cloned.1.call-start
scs
__scs_entry_jumppad:
0x0: {  	(pc) =	sbr.rel $0x88, $3  }
0x1: {  	(tag) =	ssettag $0x0;
	lr =	simm.s32 $0x1  }
0x2: {  	[smem:$0x3F79] =	sst lr;
	_ =	strace $0xD0000000  }
0x3: {  	_ = 	snop  }
0x4: {  	_ = 	snop  }
0x5: {  	_ = 	snop  }
0x6: {  	_ = 	snop  }
0x7: {  	_ = 	snop  }
__scs_overlays_trampoline_lowered:
0x8: {  	[smem:$0x3F88] =	sst s0  }
0x9: {  	[smem:$0x3F89] =	sst s1  }
0xa: {  	[smem:$0x3F8A] =	sst s2  }
0xb: {  	[smem:$0x3F8B] =	sst s3  }
0xc: {  	[smem:$0x3F8C] =	sst s4  }
0xd: {  	[smem:$0x3F8D] =	sst s5  }
0xe: {  	[smem:$0x3F8E] =	sst s6  }
0xf: {  	[smem:$0x3F8F] =	sst s7  }
0x10: {  	[smem:$0x3F90] =	sst s8  }
0x11: {  	[smem:$0x3F91] =	sst s9;
	s0 =	simm.s32 @!p0 $0x0  }
0x12: {  	s1 =	sld [smem:$0x3F77];
	s0 =	simm.s32 @p0 $0x1  }
0x13: {  	[smem:$0x3F92] =	sst s0;
	s0 =	simm.s32 @!p1 $0x0  }
0x14: {  	s2 =	sld [smem:$0x3F76];
	s0 =	simm.s32 @p1 $0x1  }
0x15: {  	[smem:$0x3F93] =	sst s0;
	s0 =	simm.s32 @!p2 $0x0  }
0x16: {  	s3 =	sld [smem:$0x3FDB];
	s0 =	simm.s32 @p2 $0x1  }
0x17: {  	s4 =	simm.s32 $0x1BF5;
	[smem:$0x3F95] =	sst s0  }
0x18: {  	s0 =	sld [smem:$0x3F78];
	_ =	swait.ge [sflag:s4], $0x0  }
0x19: {  	s7 =	sld [smem:$0x3F79]  }
0x1a: {  	s8 =	sadd.s32 $0xFFFFE003, lr  }
0x1b: {  	s9 =	sadd.s32 $0xFFFFFEF7, lr;
	s5 =	simm.s32 $0xFFFFFFFF;
	p2 =	slt.u32 s8, $0xFFFFF086  }
0x1c: {  	p1 =	slt.u32 s9, $0xF7A;
	s5 =	simm.s32 @!p2 $0x0  }
0x1d: {  	s5 =	simm.s32 @p1 $0x1;
	p0 =	seq.s32 s7, s2  }
0x1e: {  	s7 =	smul.u32 @!p0 $0xF7A, s2;
	p2 =	seq.s32 @!p0 s5, $0x0  }
0x1f: {  	s9 =	smul.u32 $0xF7A, s1;
	s8 =	simm.s32 @!p0 $0x1BF5;
	p2 =	por !p2, p0  }
0x20: {  	[sflag:s8] =	ssyncset.s32 @!p0 $0xFFFFF086;
	s6 =	sadd.s32 @!p0 s3, s7;
	s7 =	simm.s32 @!p0 $0x108  }
0x21: {  	s3 =	sadd.s32 s3, s9;
	s6 =	sadd.s32 @!p0 $0x88, s6;
	s7 =	simm.s32 @p2 $0x1082  }
0x22: {  	[simem:s7], [sflag:s8] =	dma.local @!p0 [hbm:s6], $0xF7A  }
0x23: {  	s9 =	sor.u32 $0xD0000000, s2;
	s6 =	simm.s32 $0x108;
	_ =	swait.ge @!p0 [sflag:s8], $0x0  }
0x24: {  	s3 =	sadd.s32 $0x88, s3;
	s6 =	simm.s32 @!p1 $0x1082;
	[sflag:s4] =	ssyncset.s32 $0xFFFFF086  }
0x25: {  	[simem:s6], [sflag:s4] =	dma.local [hbm:s3], $0xF7A  }
0x26: {  	[smem:$0x3F79] =	sst s1;
	(tag) =	ssettag s2;
	_ =	strace s9  }
0x27: {  	s1 =	sld [smem:$0x3F89]  }
0x28: {  	s2 =	sld [smem:$0x3F8A]  }
0x29: {  	s4 =	sld [smem:$0x3F8C]  }
0x2a: {  	p0 =	seq.s32 s5, $0x0;
	s5 =	sld [smem:$0x3F8D]  }
0x2b: {  	s6 =	sld [smem:$0x3F8E]  }
0x2c: {  	s7 =	sld [smem:$0x3F8F]  }
0x2d: {  	s3 =	simm.s32 $0x108;
	s8 =	sld [smem:$0x3F90]  }
0x2e: {  	s3 =	simm.s32 @!p0 $0x1082;
	s9 =	sld [smem:$0x3F91]  }
0x2f: {  	lr =	sadd.s32 s0, s3;
	s0 =	sld [smem:$0x3F88]  }
0x30: {  	s3 =	sld [smem:$0x3F8B]  }
0x31: {  	[smem:$0x3F94] =	sst s10  }
0x32: {  	s10 =	sld [smem:$0x3F92];
	_ =	sdelay $0x3  }
0x33: {  	p0 =	seq.s32 s10, $0x1;
	s10 =	sld [smem:$0x3F94];
	_ =	sdelay $0x3  }
0x34: {  	[smem:$0x3F94] =	sst s10  }
0x35: {  	s10 =	sld [smem:$0x3F93];
	_ =	sdelay $0x3  }
0x36: {  	p1 =	seq.s32 s10, $0x1;
	s10 =	sld [smem:$0x3F94];
	_ =	sdelay $0x3  }
0x37: {  	[smem:$0x3F94] =	sst s10  }
0x38: {  	s10 =	sld [smem:$0x3F95]  }
0x39: {  	_ = 	snop;
	(pc) =	sbr.ind lr, $3  }
0x3a: {  	_ = 	snop  }
0x3b: {  	_ = 	snop  }
0x3c: {  	p2 =	seq.s32 s10, $0x1;
	s10 =	sld [smem:$0x3F94]  }
0x3d: {  	_ =	shalt  }
0x3e: {  	_ =	shalt  }
0x3f: {  	_ =	shalt  }
0x40: {  	_ =	shalt  }
0x41: {  	_ =	shalt  }
0x42: {  	_ =	shalt  }
0x43: {  	_ =	shalt  }
0x44: {  	_ =	shalt  }
0x45: {  	_ =	shalt  }
0x46: {  	_ =	shalt  }
0x47: {  	_ =	shalt  }
0x48: {  	_ =	shalt  }
0x49: {  	_ =	shalt  }
0x4a: {  	_ =	shalt  }
0x4b: {  	_ =	shalt  }
0x4c: {  	_ =	shalt  }
0x4d: {  	_ =	shalt  }
0x4e: {  	_ =	shalt  }
0x4f: {  	_ =	shalt  }
0x50: {  	_ =	shalt  }
0x51: {  	_ =	shalt  }
0x52: {  	_ =	shalt  }
0x53: {  	_ =	shalt  }
0x54: {  	_ =	shalt  }
0x55: {  	_ =	shalt  }
0x56: {  	_ =	shalt  }
0x57: {  	_ =	shalt  }
0x58: {  	_ =	shalt  }
0x59: {  	_ =	shalt  }
0x5a: {  	_ =	shalt  }
0x5b: {  	_ =	shalt  }
0x5c: {  	_ =	shalt  }
0x5d: {  	_ =	shalt  }
0x5e: {  	_ =	shalt  }
0x5f: {  	_ =	shalt  }
0x60: {  	_ =	shalt  }
0x61: {  	_ =	shalt  }
0x62: {  	_ =	shalt  }
0x63: {  	_ =	shalt  }
0x64: {  	_ =	shalt  }
0x65: {  	_ =	shalt  }
0x66: {  	_ =	shalt  }
0x67: {  	_ =	shalt  }
0x68: {  	_ =	shalt  }
0x69: {  	_ =	shalt  }
0x6a: {  	_ =	shalt  }
0x6b: {  	_ =	shalt  }
0x6c: {  	_ =	shalt  }
0x6d: {  	_ =	shalt  }
0x6e: {  	_ =	shalt  }
0x6f: {  	_ =	shalt  }
0x70: {  	_ =	shalt  }
0x71: {  	_ =	shalt  }
0x72: {  	_ =	shalt  }
0x73: {  	_ =	shalt  }
0x74: {  	_ =	shalt  }
0x75: {  	_ =	shalt  }
0x76: {  	_ =	shalt  }
0x77: {  	_ =	shalt  }
0x78: {  	_ =	shalt  }
0x79: {  	_ =	shalt  }
0x7a: {  	_ =	shalt  }
0x7b: {  	_ =	shalt  }
0x7c: {  	_ =	shalt  }
0x7d: {  	_ =	shalt  }
0x7e: {  	_ =	shalt  }
0x7f: {  	_ =	shalt  }
0x80: {  	_ =	shalt  }
0x81: {  	_ =	shalt  }
0x82: {  	_ =	shalt  }
0x83: {  	_ =	shalt  }
0x84: {  	_ =	shalt  }
0x85: {  	_ =	shalt  }
0x86: {  	_ =	shalt  }
0x87: {  	_ =	shalt  }
.Lfunc_end0:
.L_simem_size_0:
called_computation.1_lowered:
.L_overlay_start_0:
0x88: {  	s2 =	sld [smem:$0x3FD9]  }
0x89: {  	s3 =	sld [smem:$0x3FFE];
	_ =	sdelay $0x1  }
0x8a: {  	s1 =	srdreg.scid  }
0x8b: {  	s0 =	sand.u32 $0x1, s1  }
0x8c: {  	s17 =	sshll.u32 s0, $0xA;
	s2 =	sadd.s32 s3, s2  }
0x8d: {  	s2 =	sadd.s32 s2, s17  }
0x8e: {  	[smem:$0x3FA0] =	sst s2  }
0x8f: {  	_ = 	snop  }
0x90: {  	(tm) =	ssettm $0x1  }
0x91: {  	s18 =	sld [smem:$0x3FFB];
	_ =	sdelay $0x3  }
0x92: {  	_ =	strace s18  }
0x93: {  	s2 =	sld [smem:$0x3FFC];
	_ =	sdelay $0x3  }
0x94: {  	_ =	strace s2  }
0x95: {  	s2 =	sld [smem:$0x3FFD];
	_ =	sdelay $0x3  }
0x96: {  	_ =	strace s2  }
0x97: {  	_ =	strace $0x8FFFFFFF  }
0x98: {  	s19 =	sld [smem:$0x3FDB];
	_ =	sdelay $0x1  }
0x99: {  	s20 =	simm.s32 $_scs_section_size  }
0x9a: {  	s4 =	simm.s32 $_size__tile_overlayer_lowered;
	s5 =	simm.s32 $_tile_overlayer_lowered  }
0x9b: {  	s6 =	simm.s32 $0x1BFF;
	s21 =	sshll.u32 s5, $0x1;
	s3 =	sadd.s32 s20, s19  }
0x9c: {  	s22 =	simm.s32 $0x0;
	s4 =	sshll.u32 s4, $0x1;
	s5 =	sadd.s32 s21, s3  }
0x9d: {  	[timem:s22], [sflag:s6] =	dma.local [hbm:s5], s4  }
0x9e: {  	_ =	swait.ge [sflag:s6], s4  }
0x9f: {  	s4 =	ssub.s32 $0x0, s4;
	[sflag:s6] =	ssyncset.done $0x0  }
0xa0: {  	[sflag:s6] =	ssyncadd.s32 s4;
	_ =	sdelay $0x1  }
0xa1: {  	s23 =	simm.s32 $0x1B8B  }
0xa2: {  	_ =	swait.ge [sflag:s23], $0x1  }
0xa3: {  	[sflag:s23] =	ssyncset.done $0x0  }
0xa4: {  	[sflag:s23] =	ssyncadd.s32 $0xFFFFFFFF  }
0xa5: {  	s4 =	sld [smem:$0x0]  }
0xa6: {  	s5 =	sand.u32 $0xFFFFFFFE, s1  }
0xa7: {  	p0 =	sne.s32 s1, s5  }
0xa8: {  	s5 =	sshll.u32 @p0 s5, $0xE  }
0xa9: {  	s5 =	sadd.s32 @p0 $0x11B8D, s5;
	s6 =	sshll.u32 @p0 s4, $0x11  }
0xaa: {  	s5 =	sor.u32 @p0 s6, s5  }
0xab: {  	[sflag:s5] =	ssyncadd.remote.s32 @p0 $0x1;
	_ =	sdelay $0x1  }
0xac: {  	s5 =	simm.s32 @p0 $0x1B8D  }
0xad: {  	_ =	swait.eq @p0 [sflag:s5], $0x1  }
0xae: {  	[sflag:s5] =	ssyncadd.s32 @p0 $0xFFFFFFFF  }
0xaf: {  	s6 =	sshll.u32 @!p0 s1, $0xE  }
0xb0: {  	s6 =	sor.u32 @!p0 $0x4000, s6;
	s5 =	simm.s32 @!p0 $0x1B8D  }
0xb1: {  	s4 =	sshll.u32 @!p0 s4, $0x11;
	s6 =	sadd.s32 @!p0 $0x11B8D, s6;
	_ =	swait.eq @!p0 [sflag:s5], $0x1  }
0xb2: {  	s4 =	sor.u32 @!p0 s4, s6;
	[sflag:s5] =	ssyncadd.s32 @!p0 $0xFFFFFFFF  }
0xb3: {  	s25 =	simm.s32 $0x1B8E;
	s24 =	sld [smem:$0x3FFE];
	[sflag:s4] =	ssyncadd.remote.s32 @!p0 $0x1  }
0xb4: {  	s26 =	simm.s32 $execute0_lowered;
	[smem:$0x3FD2] =	sst s25  }
0xb5: {  	s5 =	sshll.u32 s26, $0x1;
	_ =	strace $0x80000049;
	[dreg:$0x1] =	wrdreg $0xFFFFFFFF  }
0xb6: {  	s28 =	simm.s32 $_size_execute0_lowered;
	s3 =	sadd.s32 s3, s5;
	[dreg:$0x0] =	wrdreg $0x0  }
0xb7: {  	s5 =	sshll.u32 s28, $0x1;
	[dreg:$0x2] =	wrdreg s3  }
0xb8: {  	[dreg:$0x3] =	wrdreg s5  }
0xb9: {  	[dreg:$0x4] =	wrdreg $0xC0  }
0xba: {  	_ =	task [dreg:s22], $0x5FFFF  }
0xbb: {  	[dreg:$0x1] =	wrdreg $0xFFFFFFFF  }
0xbc: {  	[dreg:$0x0] =	wrdreg $0x60  }
0xbd: {  	[dreg:$0x2] =	wrdreg s24  }
0xbe: {  	[dreg:$0x3] =	wrdreg $0xA  }
0xbf: {  	_ =	task.clear_ibuf [dreg:s22], $0x4FFFF;
	_ =	strace $0x90000049  }
0xc0: {  	s29 =	simm.s32 $0xA;
	_ =	strace $0x8000004B  }
0xc1: {  	_ =	swait.ge [sflag:s29], $0x1  }
0xc2: {  	[sflag:s29] =	ssyncadd.s32 $0xFFFFFFFF  }
0xc3: {  	_ =	strace $0x9000004B  }
0xc4: {  	_ =	sfence  }
0xc5: {  	s30 =	sld [smem:$0x0];
	_ =	sdelay $0x2  }
0xc6: {  	s31 =	sshll.u32 s1, $0xD;
	s1 =	sshrl.u32 s1, $0x2  }
0xc7: {  	s4 =	sand.u32 $0x4000, s31;
	s1 =	sadd.s32 s1, s30  }
0xc8: {  	s0 =	sor.u32 s4, s0;
	s1 =	sshll.u32 s1, $0x11  }
0xc9: {  	s0 =	sor.u32 s1, s0  }
0xca: {  	s0 =	sadd.s32 $0x8F2B, s0  }
0xcb: {  	[sflag:s0] =	ssyncadd.remote.s32 $0x1  }
0xcc: {  	_ =	sfence.sel $0xFFFF  }
0xcd: {  	[dreg:$0x0] =	wrdreg $0xFFFFFFFF;
	(pc) =	sbr.abs _section_cstart, $3  }
0xce: {  	[dreg:$0x1] =	wrdreg $0xFFFFFFFF  }
0xcf: {  	_ =	task.clear_ibuf [dreg:s22], $0x2FFFF;
	_ =	strace $0x9FFFFFFF  }
0xd0: {  	(tm) =	ssettm $0x7FFFFFFF  }
0xd1: {  	_ =	shalt  }
tec
execute0_lowered:
.L_overlay_start_1:
0x0: {  	(tag) =	ssettag $0x1  }
0x1: {  	s4 =	rddreg [dreg:$0x0]  }
0x2: {  	s0 =	rddreg [dreg:$0x1]  }
0x3: {  	s2 =	simm.s32 $0x0;
	s3 =	srdreg.scid;
	s1 =	stileid.u32  }
0x4: {  	s9 =	simm.s32 $0x1;
	s10 =	simm.s32 $0x80;
	s11 =	simm.s32 $0x400  }
0x5: {  	s12 =	simm.s32 $0x680;
	s13 =	simm.s32 $0x0;
	[smem:$0x7FF] =	sst s2  }
0x6: {  	s3 =	sand.u32 $0x1, s3;
	s5 =	sshll.u32 s1, $0x1;
	_ =	strace $0x8000004A  }
0x7: {  	s5 =	sor.u32 s3, s5;
	s6 =	ssub.s32 $0x2, s3;
	s3 =	sadd.s32 $0x1D3400, s4  }
0x8: {  	s7 =	sshll.u32 s5, $0x5;
	s8 =	sshrl.u32 s6, $0x1;
	s5 =	sshll.u32 s5, $0x4  }
0x9: {  	s7 =	sadd.s32 s7, s4;
	s4 =	sadd.s32 $0x1ED800, s4;
	s8 =	ssub.s32 s6, s8  }
0xa: {  	v0 =	vimm.s32 $0x0;
	v1 =	vlaneseq.u32;
	s6 =	sadd.s32 $0x1ED400, s7;
	s7 =	smax.u32 s8, $0x1;
	s8 =	simm.s32 $0xD80  }
.LBB2_1:
0xb: {  	[tilespmem:s8], [sflag:$0x1] =	stream.linear.gather [hbm4b:s6+s2], $0x100, $0x38;
	[tilespmem:$0xE80] =	vst v63  }
0xc: {  	_ =	swait.ge [sflag:s9], $0x100  }
0xd: {  	[sflag:s9] =	ssyncset.done $0x0  }
0xe: {  	s14 =	simm.s32 $0x0;
	[sflag:s9] =	ssyncadd.s32 $0xFFFFFF00  }
.LBB2_2:
0xf: {  	s15 =	sadd.s32 s5, s14  }
0x10: {  	s15 =	sshrl.u32 s15, $0x3  }
0x11: {  	s16 =	sshll.u32 s14, $0x7;
	s17 =	smul.u32 $0x3400, s15  }
0x12: {  	s16 =	sand.u32 $0x380, s16  }
0x13: {  	s17 =	sor.u32 s16, s17  }
0x14: {  	s17 =	sshrl.u32 s17, $0x3  }
0x15: {  	s17 =	sadd.s32 s3, s17  }
0x16: {  	[tilespmem:s2], [sflag:$0x1] =	stream.strided.gather [hbm4b:s17+s10], $0x680, s11, s10, $0x38;
	[tilespmem:$0xE80] =	vst v63  }
0x17: {  	_ =	swait.ge [sflag:s9], $0x680  }
0x18: {  	[sflag:s9] =	ssyncset.done $0x0  }
0x19: {  	v3 =	vimm.s32 $0x0;
	[sflag:s9] =	ssyncadd.s32 $0xFFFFF980  }
0x1a: {  	[tilespmem:$0x680] =	vst v3  }
0x1b: {  	[tilespmem:$0x690] =	vst v3  }
0x1c: {  	[tilespmem:$0x6A0] =	vst v3  }
0x1d: {  	[tilespmem:$0x6B0] =	vst v3  }
0x1e: {  	[tilespmem:$0x6C0] =	vst v3  }
0x1f: {  	[tilespmem:$0x6D0] =	vst v3  }
0x20: {  	s29 =	sshll.u32 s14, $0x4;
	[tilespmem:$0x6E0] =	vst v3  }
0x21: {  	s17 =	sand.u32 $0x3FFFFFF0, s29;
	[tilespmem:$0x6F0] =	vst v3  }
0x22: {  	v2 =	vld [tilespmem:s17+$0xD80];
	s17 =	simm.s32 $0x20  }
0x23: {  	v4 =	vld [tilespmem:s17+$0xFFFFFFE0];
	_ =	sdelay $0x1  }
0x24: {  	v5 =	vld [tilespmem:s17+$0xFFFFFFF0];
	_ =	sdelay $0x1  }
0x25: {  	v6 =	vld [tilespmem:s17+$0x0]  }
0x26: {  	vm3 =	vle.f32 v4, v2  }
0x27: {  	v4 =	vsel vm3, $0x1, v0  }
0x28: {  	vm2 =	vle.f32 v5, v2;
	v5 =	vld [tilespmem:s17+$0x10];
	(xrf0) =	vadd.scan.msk.s32 $0xffff, v4  }
0x29: {  	v7 =	vsel vm2, $0x1, v0  }
0x2a: {  	vm1 =	vle.f32 v6, v2;
	(xrf0) =	vadd.scan.msk.s32 $0xffff, v7  }
0x2b: {  	v4 =	vsel vm1, $0x1, v0  }
0x2c: {  	(xrf0) =	vadd.scan.msk.s32 $0xffff, v4;
	v4 =	vmpcnt.ones.xlane vm3  }
0x2d: {  	vm0 =	vle.f32 v5, v2  }
0x2e: {  	v6 =	vsel vm0, $0x1, v0;
	v7, _, _ =	vpop (xrf0)  }
0x2f: {  	v5 =	vmpcnt.ones.xlane vm2;
	(xrf0) =	vadd.scan.msk.s32 $0xffff, v6;
	v6 =	vadd.s32 v7, v3  }
0x30: {  	v3 =	vadd.s32 v3, v4;
	v4, _, _ =	vpop (xrf0);
	v6 =	vadd.s32 $0xFFFFFFFF, v6  }
0x31: {  	v4 =	vadd.s32 v4, v3  }
0x32: {  	v4 =	vadd.s32 $0xFFFFFFFF, v4  }
0x33: {  	s18 =	simm.s32 $0x0;
	v7 =	vmpcnt.ones.xlane vm1;
	v3 =	vadd.s32 v3, v5;
	v5, _, _ =	vpop (xrf0)  }
0x34: {  	v8 =	vor.u32 s18, v1;
	v5 =	vadd.s32 v5, v3  }
0x35: {  	s19 =	simm.s32 $0x10;
	v3 =	vadd.s32 v3, v7;
	v5 =	vadd.s32 $0xFFFFFFFF, v5;
	[tilespmem:v6+s12+$0x0] =	vst.idx.msk vm3, v8;
	v6, _, _ =	vpop (xrf0)  }
0x36: {  	v62 =	vor.u32 s19, v1;
	v6 =	vadd.s32 v6, v3  }
0x37: {  	[tilespmem:v4+s12+$0x0] =	vst.idx.msk vm2, v62;
	v4 =	vadd.s32 $0xFFFFFFFF, v6  }
0x38: {  	s30 =	simm.s32 $0x20;
	v7 =	vmpcnt.ones.xlane vm0  }
0x39: {  	s31 =	simm.s32 $0x30;
	v63 =	vor.u32 s30, v1  }
0x3a: {  	s18 =	simm.s32 $0x70;
	v3 =	vadd.s32 v3, v7;
	[tilespmem:v5+s12+$0x0] =	vst.idx.msk vm1, v63;
	v5 =	vor.u32 s31, v1  }
.LBB2_3:
0x3b: {  	p0 =	sne.s32 s18, $0x670  }
0x3c: {  	[tilespmem:v4+s12+$0x0] =	vst.idx.msk vm0, v5;
	s17 =	sadd.s32 $0x40, s17;
	s19 =	smov.u32 s18;
	s18 =	sadd.s32 $0x40, s18  }
0x3d: {  	v4 =	vld [tilespmem:s17+$0xFFFFFFE0]  }
0x3e: {  	v5 =	vld [tilespmem:s17+$0xFFFFFFF0]  }
0x3f: {  	v6 =	vld [tilespmem:s17+$0x0]  }
0x40: {  	v7 =	vld [tilespmem:s17+$0x10];
	_ =	sdelay $0x1  }
0x41: {  	vm1 =	vle.f32 v4, v2  }
0x42: {  	v4 =	vsel vm1, $0x1, v0;
	v8 =	vmpcnt.ones.xlane vm1;
	vm2 =	vle.f32 v5, v2  }
0x43: {  	v5 =	vsel vm2, $0x1, v0;
	v9 =	vmpcnt.ones.xlane vm2;
	vm3 =	vle.f32 v6, v2;
	(xrf0) =	vadd.scan.msk.s32 $0xffff, v4  }
0x44: {  	v4 =	vsel vm3, $0x1, v0;
	v6 =	vmpcnt.ones.xlane vm3;
	vm0 =	vle.f32 v7, v2;
	(xrf0) =	vadd.scan.msk.s32 $0xffff, v5  }
0x45: {  	v5 =	vsel vm0, $0x1, v0;
	(xrf0) =	vadd.scan.msk.s32 $0xffff, v4  }
0x46: {  	(xrf0) =	vadd.scan.msk.s32 $0xffff, v5;
	_ =	sdelay $0x2  }
0x47: {  	v4, _, _ =	vpop (xrf0)  }
0x48: {  	v5 =	vmpcnt.ones.xlane vm0;
	v4 =	vadd.s32 v4, v3;
	v3 =	vadd.s32 v3, v8;
	v7, _, _ =	vpop (xrf0)  }
0x49: {  	v8 =	vadd.s32 $0xFFFFFFFF, v4;
	v4 =	vadd.s32 v7, v3;
	v3 =	vadd.s32 v3, v9;
	v7, _, _ =	vpop (xrf0)  }
0x4a: {  	v9 =	vadd.s32 $0xFFFFFFFF, v4;
	v4 =	vadd.s32 v7, v3;
	v3 =	vadd.s32 v3, v6;
	v6, _, _ =	vpop (xrf0)  }
0x4b: {  	v7 =	vadd.s32 $0xFFFFFFFF, v4;
	v4 =	vadd.s32 v6, v3;
	v3 =	vadd.s32 v3, v5  }
.Ltmp0:
0x4c: {  	s20 =	sadd.s32 $0xFFFFFFD0, s19;
	v4 =	vadd.s32 $0xFFFFFFFF, v4;
	(pc) =	sbr.rel @p0 .LBB2_3-.Ltmp0, $4  }
0x4d: {  	s21 =	sadd.s32 $0xFFFFFFE0, s19;
	v5 =	vor.u32 s20, v1  }
0x4e: {  	s20 =	sadd.s32 $0xFFFFFFF0, s19;
	[tilespmem:v8+s12+$0x0] =	vst.idx.msk vm1, v5;
	v5 =	vor.u32 s21, v1  }
0x4f: {  	[tilespmem:v9+s12+$0x0] =	vst.idx.msk vm2, v5;
	v5 =	vor.u32 s20, v1  }
0x50: {  	[tilespmem:v7+s12+$0x0] =	vst.idx.msk vm3, v5;
	v5 =	vor.u32 s19, v1  }
0x51: {  	_ =	sdelay $0x1  }
0x52: {  	s15 =	sshll.u32 s15, $0xA  }
0x53: {  	s14 =	sadd.s32 $0x1, s14;
	s15 =	sor.u32 s16, s15  }
0x54: {  	p0 =	sne.s32 s14, $0x10;
	s15 =	sshrl.u32 s15, $0x3  }
.Ltmp1:
0x55: {  	[tilespmem:v4+s12+$0x0] =	vst.idx.msk vm0, v5;
	s15 =	sadd.s32 s4, s15;
	(pc) =	sbr.rel @p0 .LBB2_2-.Ltmp1, $4  }
0x56: {  	[hbm4b:s15+s2] =	stream.linear.scatter [tilespmem:s12], [sflag:$0x1], $0x80, $0x38;
	[tilespmem:$0xE80] =	vst v63  }
0x57: {  	_ =	swait.ge [sflag:s9], $0x80  }
0x58: {  	[sflag:s9] =	ssyncset.done $0x0  }
0x59: {  	[sflag:s9] =	ssyncadd.s32 $0xFFFFFF80  }
0x5a: {  	s13 =	sadd.s32 $0x1, s13  }
0x5b: {  	p0 =	sne.s32 s13, s7  }
.Ltmp2:
0x5c: {  	_ = 	snop;
	(pc) =	sbr.rel @p0 .LBB2_1-.Ltmp2, $1  }
0x5d: {  	_ =	sdelay $0x3  }
0x5e: {  	_ =	sfence.sel $0x180000  }
0x5f: {  	[bflag:$0x0] =	sbarrier.arrive $0xFFFF  }
0x60: {  	p0 =	sne.s32 s1, $0x0;
	_ =	strace $0x9000004A  }
0x61: {  	s0 =	sadd.s32 @!p0 $0x100000, s0;
	[bflag:$0x2] =	sbarrier.arrive $0xFFFF  }
0x62: {  	[sflag:s0] =	ssyncadd.tile.s32 @!p0 $0x1;
	_ =	shalt  }
.Lfunc_end2:
_tile_overlayer_lowered:
.L_overlay_start_2:
0x63: {  	(tag) =	ssettag $0x2  }
0x64: {  	s0 =	rddreg [dreg:$0x0];
	s2 =	stileid.u32  }
0x65: {  	s1 =	rddreg [dreg:$0x1];
	p0 =	sne.s32 s2, $0x0  }
0x66: {  	s3 =	rddreg [dreg:$0x2];
	[bflag:$0x3] =	sbarrier.arrive $0xFFFF;
	s2 =	simm.s32 @!p0 $0x1C01  }
0x67: {  	[timem:s3], [sflag:s2] =	dma.local @!p0 [hbm:s0], s1  }
0x68: {  	s0 =	simm.s32 @!p0 $0x1  }
0x69: {  	_ =	swait.ge @!p0 [sflag:s0], s1  }
0x6a: {  	s1 =	ssub.s32 @!p0 $0x0, s1;
	[sflag:s0] =	ssyncset.done @!p0 $0x0  }
0x6b: {  	[sflag:s0] =	ssyncadd.s32 @!p0 s1  }
0x6c: {  	[bflag:$0x3] =	sbarrier.arrive $0xFFFF  }
0x6d: {  	_ =	shalt  }

</sc_bundles>
